<compile_context>
chip_gen: v7x
topology: tpu7x:2x2x1
jax: 0.10.2.dev20260603
libtpu: 0.0.44.dev20260713+nightly
codegen_flags: <defaults>
</compile_context>

<pallas_src>
import jax
import jax.numpy as jnp
from jax import lax
from jax.experimental import pallas as pl
from jax.experimental.pallas import tpu as pltpu
from jax.experimental.pallas import tpu_sc as plsc

N_SRC = 100000
D = 128
NSEC = 100
NSEC_PAD = 128
B = 16384
SLICE_RANGE = 1000

NC = 2
NS = 16
NW = NC * NS

CHUNK = 384
SUB = 96
NSUB = CHUNK // SUB

N_SC = 49152
NCHUNKS_SC = N_SC // CHUNK
NCH_PER_W = NCHUNKS_SC // NW

TSEG = 12288
TSEG_GRID = 9
TSEG_SUMS_START = 4

TBLK = 4096
GRID = B // TBLK


def _seg_sum_body(src_emb, sectors, zeros_acc, out_sums,
                  rows_v0, rows_v1, idx_v0, idx_v1,
                  acc_sh, lsem0, lsem1, isem0, isem1, ssem0, ssem1):
    c = lax.axis_index("c")
    s = lax.axis_index("s")
    wid = c * NS + s

    @pl.when(s == 0)
    def _():
        pltpu.sync_copy(zeros_acc, acc_sh)

    plsc.subcore_barrier()

    rows = (rows_v0, rows_v1)
    idxs = (idx_v0, idx_v1)
    lsems = (lsem0, lsem1)
    isems = (isem0, isem1)
    ssems = (ssem0, ssem1)

    def start(k):
        ci = k * NW + wid
        b = k % 2
        pltpu.async_copy(src_emb.at[pl.ds(ci * CHUNK, CHUNK)], rows[b],
                         lsems[b])
        for j in range(NSUB):
            pltpu.async_copy(sectors.at[pl.ds(ci * CHUNK + j * SUB, SUB)],
                             idxs[b].at[j], isems[b])

    def consume(k):
        ci = k * NW + wid
        b = k % 2
        pltpu.make_async_copy(src_emb.at[pl.ds(ci * CHUNK, CHUNK)], rows[b],
                              lsems[b]).wait()
        for j in range(NSUB):
            pltpu.make_async_copy(
                sectors.at[pl.ds(ci * CHUNK + j * SUB, SUB)],
                idxs[b].at[j], isems[b]).wait()
        for j in range(NSUB):
            pltpu.async_copy(rows[b].at[pl.ds(j * SUB, SUB)],
                             acc_sh.at[idxs[b].at[j]], ssems[b], add=True)

    def drain_scatters(k):
        b = k % 2
        for j in range(NSUB):
            pltpu.make_async_copy(rows[b].at[pl.ds(j * SUB, SUB)],
                                  acc_sh.at[idxs[b].at[j]], ssems[b]).wait()

    start(0)
    for k in range(NCH_PER_W):
        if k + 1 < NCH_PER_W:
            if k - 1 >= 0:
                drain_scatters(k - 1)
            start(k + 1)
        consume(k)
    if NCH_PER_W >= 2:
        drain_scatters(NCH_PER_W - 2)
    drain_scatters(NCH_PER_W - 1)

    plsc.subcore_barrier()

    @pl.when(s == 0)
    def _():
        pltpu.sync_copy(acc_sh, out_sums.at[c])


_seg_call_cache = []


def _seg_call(*args):
    if not _seg_call_cache:
        _seg_call_cache.append(pl.kernel(
            _seg_sum_body,
            out_type=jax.ShapeDtypeStruct((NC, NSEC_PAD, D), jnp.float32),
            mesh=plsc.VectorSubcoreMesh(core_axis_name="c",
                                        subcore_axis_name="s",
                                        num_cores=NC, num_subcores=NS),
            scratch_types=[
                pltpu.VMEM((CHUNK, D), jnp.float32),
                pltpu.VMEM((CHUNK, D), jnp.float32),
                pltpu.VMEM((NSUB, SUB), jnp.int32),
                pltpu.VMEM((NSUB, SUB), jnp.int32),
                pltpu.VMEM_SHARED((NSEC_PAD, D), jnp.float32),
                pltpu.SemaphoreType.DMA,
                pltpu.SemaphoreType.DMA,
                pltpu.SemaphoreType.DMA,
                pltpu.SemaphoreType.DMA,
                pltpu.SemaphoreType.DMA,
                pltpu.SemaphoreType.DMA,
            ],
        ))
    return _seg_call_cache[0](*args)


def _tcseg_body(rows_ref, sec_ref, sums_ref, cnts_ref):
    i = pl.program_id(0)

    @pl.when(i == 0)
    def _():
        sums_ref[...] = jnp.zeros((NSEC_PAD, D), jnp.float32)
        cnts_ref[...] = jnp.zeros((NSEC_PAD, 8), jnp.float32)

    sec = sec_ref[0, 0, :]
    oh_cnt = (lax.broadcasted_iota(jnp.int32, (NSEC_PAD, TSEG), 0)
              == sec[None, :]).astype(jnp.bfloat16)
    ones = jnp.ones((TSEG, 8), jnp.bfloat16)
    cnts_ref[...] += jnp.dot(oh_cnt, ones,
                             preferred_element_type=jnp.float32)

    @pl.when(i >= TSEG_SUMS_START)
    def _():
        gidx = i * TSEG + lax.broadcasted_iota(jnp.int32, (TSEG,), 0)
        sec2 = jnp.where(gidx >= N_SC, sec, -1)
        oh_t = (lax.broadcasted_iota(jnp.int32, (NSEC_PAD, TSEG), 0)
                == sec2[None, :]).astype(jnp.bfloat16)
        gidx2 = i * TSEG + lax.broadcasted_iota(jnp.int32, (TSEG, 1), 0)
        rows_bf = jnp.where(gidx2 < N_SRC, rows_ref[...],
                            0.0).astype(jnp.bfloat16)
        sums_ref[...] += jnp.dot(oh_t, rows_bf,
                                 preferred_element_type=jnp.float32)


def _tcseg_call(src_emb, sec_r):
    return pl.pallas_call(
        _tcseg_body,
        grid=(TSEG_GRID,),
        in_specs=[
            pl.BlockSpec((TSEG, D),
                         lambda i: (jnp.maximum(i, TSEG_SUMS_START), 0)),
            pl.BlockSpec((1, 1, TSEG), lambda i: (i, 0, 0)),
        ],
        out_specs=[
            pl.BlockSpec((NSEC_PAD, D), lambda i: (0, 0)),
            pl.BlockSpec((NSEC_PAD, 8), lambda i: (0, 0)),
        ],
        out_shape=[
            jax.ShapeDtypeStruct((NSEC_PAD, D), jnp.float32),
            jax.ShapeDtypeStruct((NSEC_PAD, 8), jnp.float32),
        ],
    )(src_emb, sec_r)


def _dist_body(sums_ref, tcsum_ref, cnts_ref, temb_ref, tidx_ref, out_ref,
               centers_scr):
    i = pl.program_id(0)

    @pl.when(i == 0)
    def _():
        ssum = sums_ref[0] + sums_ref[1] + tcsum_ref[...]
        cnt = cnts_ref[:, 0]
        centers = ssum / jnp.maximum(cnt, 1.0)[:, None]
        centers_scr[...] = centers.astype(jnp.bfloat16)
        out_ref[...] = jnp.zeros((1, 1), jnp.float32)

    sec = tidx_ref[0, 0, :] // SLICE_RANGE
    onehot = (sec[:, None] == lax.broadcasted_iota(
        jnp.int32, (TBLK, NSEC_PAD), 1)).astype(jnp.bfloat16)
    cc = jnp.dot(onehot, centers_scr[...],
                 preferred_element_type=jnp.float32).astype(jnp.bfloat16)
    diff = temb_ref[...].astype(jnp.bfloat16) - cc
    sq = diff * diff
    ones = jnp.ones((NSEC_PAD, 8), jnp.bfloat16)
    dist2 = jnp.dot(sq, ones, preferred_element_type=jnp.float32)
    dist = jnp.sqrt(dist2[:, 0])
    out_ref[...] += (jnp.sum(dist) * (1.0 / B)).reshape(1, 1)


def _dist_call(sums, tcsum, cnts, temb, tidx_r):
    return pl.pallas_call(
        _dist_body,
        grid=(GRID,),
        in_specs=[
            pl.BlockSpec((NC, NSEC_PAD, D), lambda i: (0, 0, 0)),
            pl.BlockSpec((NSEC_PAD, D), lambda i: (0, 0)),
            pl.BlockSpec((NSEC_PAD, 8), lambda i: (0, 0)),
            pl.BlockSpec((TBLK, D), lambda i: (i, 0)),
            pl.BlockSpec((1, 1, TBLK), lambda i: (i, 0, 0)),
        ],
        out_specs=pl.BlockSpec((1, 1), lambda i: (0, 0)),
        out_shape=jax.ShapeDtypeStruct((1, 1), jnp.float32),
        scratch_shapes=[pltpu.VMEM((NSEC_PAD, D), jnp.bfloat16)],
    )(sums, tcsum, cnts, temb, tidx_r)


def kernel(target_embeddings, target_slice_idx, source_embeddings,
           source_slice_idx, source_sectors):
    del source_slice_idx
    sec32 = source_sectors.astype(jnp.int32)
    zeros_acc = jnp.zeros((NSEC_PAD, D), jnp.float32)

    sums = _seg_call(source_embeddings, sec32, zeros_acc)

    sec_pad = jnp.concatenate(
        [sec32, jnp.full((TSEG_GRID * TSEG - N_SRC,), NSEC_PAD - 1,
                         jnp.int32)])
    tcsum, cnts = _tcseg_call(source_embeddings,
                              sec_pad.reshape(TSEG_GRID, 1, TSEG))

    tidx_r = target_slice_idx.astype(jnp.int32).reshape(GRID, 1, TBLK)
    out = _dist_call(sums, tcsum, cnts, target_embeddings, tidx_r)
    return out[0, 0]

# --- scband reference (transcript-rebuilt; emitter-appended) ---
"""Pipeline reference for scband-slice-sector-loss-78271484002324 (READ-ONLY COPY).

The authoritative reference and input builder live on the scoring server;
editing this copy changes nothing except your own understanding.
"""

import jax, jax.numpy as jnp
import numpy as np

N_SOURCE = 100000
D = 128
SLICE_RANGE = 1000
N_CLUSTERS = 100
B = 16384


def setup_inputs(seed: int = 0) -> dict:
    key = jax.random.key(seed)
    k1, k2, k3, k4 = jax.random.split(key, 4)
    source_embeddings = jax.random.normal(k1, (N_SOURCE, D), dtype=jnp.float32)
    source_slice_idx = jax.random.randint(k2, (N_SOURCE,), 0, N_CLUSTERS * SLICE_RANGE, dtype=jnp.int64 if jax.config.jax_enable_x64 else jnp.int32)
    # get_sectors_from_index: sector = slice_idx // sector_size
    source_sectors = source_slice_idx // SLICE_RANGE
    target_embeddings = jax.random.normal(k3, (B, D), dtype=jnp.float32)
    target_slice_idx = jax.random.randint(k4, (B,), 0, N_CLUSTERS * SLICE_RANGE, dtype=jnp.int64 if jax.config.jax_enable_x64 else jnp.int32)
    return {
        "target_embeddings": target_embeddings,
        "target_slice_idx": target_slice_idx,
        "source_embeddings": source_embeddings,
        "source_slice_idx": source_slice_idx,
        "source_sectors": source_sectors,
    }


def reference(target_embeddings, target_slice_idx, source_embeddings, source_slice_idx, source_sectors):
    # __init__: cluster_centers = per-sector mean of source embeddings (segment mean)
    sums = jax.ops.segment_sum(source_embeddings, source_sectors, num_segments=N_CLUSTERS)
    counts = jax.ops.segment_sum(jnp.ones((source_sectors.shape[0],), jnp.float32), source_sectors, num_segments=N_CLUSTERS)
    cluster_centers = sums / jnp.maximum(counts, 1.0)[:, None]

    # resample_cluster_centers with pull_towards='cluster_center':
    # target_sectors = get_sectors_from_index(target_slice_idx, sector_size=slice_range)
    target_sectors = target_slice_idx // SLICE_RANGE
    cc = jnp.take(cluster_centers, target_sectors, axis=0)

    # distance with distance_metric='l2_distance' (torch F.pairwise_distance, eps=1e-6)
    eps = 1e-6
    diff = target_embeddings - cc + eps
    distances = jnp.sqrt(jnp.sum(diff * diff, axis=-1))
    return distances.mean()

if __name__ == "__main__":
    import jax
    _d = setup_inputs()
    print(jax.jit(kernel)(*tuple(_d.values())))

</pallas_src>

<mosaic_0001>
#map = affine_map<(d0, d1) -> (0, 0)>
#map1 = affine_map<(d0, d1) -> (0)>
#map2 = affine_map<(d0, d1) -> (0, 0, 0)>
module attributes {stable_mosaic.version = 14 : i64} {
  func.func @_seg_sum_body(%arg0: i32, %arg1: i32, %arg2: memref<100000x128xf32, #tpu.memory_space<hbm>>, %arg3: memref<100000xi32, #tpu.memory_space<hbm>>, %arg4: memref<128x128xf32, #tpu.memory_space<hbm>>, %arg5: memref<2x128x128xf32, #tpu.memory_space<hbm>>, %arg6: memref<384x128xf32, #tpu.memory_space<vmem>>, %arg7: memref<384x128xf32, #tpu.memory_space<vmem>>, %arg8: memref<4x96xi32, #tpu.memory_space<vmem>>, %arg9: memref<4x96xi32, #tpu.memory_space<vmem>>, %arg10: memref<128x128xf32, #tpu.memory_space<vmem_shared>>, %arg11: memref<!tpu.dma_semaphore, #tpu.memory_space<semaphore_mem>>, %arg12: memref<!tpu.dma_semaphore, #tpu.memory_space<semaphore_mem>>, %arg13: memref<!tpu.dma_semaphore, #tpu.memory_space<semaphore_mem>>, %arg14: memref<!tpu.dma_semaphore, #tpu.memory_space<semaphore_mem>>, %arg15: memref<!tpu.dma_semaphore, #tpu.memory_space<semaphore_mem>>, %arg16: memref<!tpu.dma_semaphore, #tpu.memory_space<semaphore_mem>>) attributes {dimension_semantics = [#tpu.dimension_semantics<core_parallel>, #tpu.dimension_semantics<subcore_parallel>], iteration_bounds = array<i64: 2, 16>, scalar_prefetch = 0 : i64, scratch_operands = 11 : i64, tpu.core_type = #tpu.core_type<sc_vector_subcore>, window_params = [{transform_indices = #map}, {transform_indices = #map1}, {transform_indices = #map}, {transform_indices = #map2}]} {
    %mul3A = arith.constant 16 : i32
    %mul3A_0 = arith.muli %arg0, %mul3A : i32
    %add3A = arith.addi %mul3A_0, %arg1 : i32
    %eq3A = arith.constant 0 : i32
    %eq3A_1 = arith.cmpi eq, %arg1, %eq3A : i32
    %convert_element_type3A = arith.extui %eq3A_1 : i1 to i32
    %cond3A = arith.constant 0 : i32
    %cond3A_2 = arith.cmpi ne, %convert_element_type3A, %cond3A : i32
    scf.if %cond3A_2 {
      "tpu.region"() ({
        %run_scoped3A = tpu.sem_alloc : memref<!tpu.dma_semaphore, #tpu.memory_space<semaphore_mem>>
        tpu.enqueue_dma source(%arg4 : memref<128x128xf32, #tpu.memory_space<hbm>>) target(%arg10 : memref<128x128xf32, #tpu.memory_space<vmem_shared>>) target_semaphore(%run_scoped3A : memref<!tpu.dma_semaphore, #tpu.memory_space<semaphore_mem>>)
        tpu.wait_dma2 semaphore(%run_scoped3A : memref<!tpu.dma_semaphore, #tpu.memory_space<semaphore_mem>>) src(%arg4 : memref<128x128xf32, #tpu.memory_space<hbm>>) dst(%arg10 : memref<128x128xf32, #tpu.memory_space<vmem_shared>>)
        tpu.yield
      }) : () -> ()
    } else {
    }
    %barrier3A = arith.constant 0 : index
    tpu.barrier barrier_id(%barrier3A)
    %add3A_3 = arith.constant 0 : i32
    %add3A_4 = arith.addi %add3A_3, %add3A : i32
    %mul3A_5 = arith.constant 384 : i32
    %mul3A_6 = arith.muli %add3A_4, %mul3A_5 : i32
    %dma_start3A = arith.constant 0 : i32
    %dma_start3A_7 = tpu.memref_slice %arg2[%mul3A_6, %dma_start3A] : memref<100000x128xf32, #tpu.memory_space<hbm>> -> memref<384x128xf32, #tpu.memory_space<hbm>>
    %dma_start3A_8 = arith.constant 0 : i32
    %dma_start3A_9 = tpu.memref_slice %arg2[%mul3A_6, %dma_start3A_8] : memref<100000x128xf32, #tpu.memory_space<hbm>> -> memref<384x128xf32, #tpu.memory_space<hbm>>
    tpu.enqueue_dma source(%dma_start3A_9 : memref<384x128xf32, #tpu.memory_space<hbm>>) target(%arg6 : memref<384x128xf32, #tpu.memory_space<vmem>>) target_semaphore(%arg11 : memref<!tpu.dma_semaphore, #tpu.memory_space<semaphore_mem>>)
    %mul3A_10 = arith.constant 384 : i32
    %mul3A_11 = arith.muli %add3A_4, %mul3A_10 : i32
    %add3A_12 = arith.constant 0 : i32
    %add3A_13 = arith.addi %mul3A_11, %add3A_12 : i32
    %dma_start3A_14 = arith.constant 0 : i32
    %dma_start3A_15 = arith.constant 0 : i32
    %dma_start3A_16 = tpu.memref_slice %arg8[%dma_start3A_14, %dma_start3A_15] : memref<4x96xi32, #tpu.memory_space<vmem>> -> memref<1x96xi32, #tpu.memory_space<vmem>>
    %dma_start3A_17 = tpu.memref_squeeze %dma_start3A_16 : memref<1x96xi32, #tpu.memory_space<vmem>> -> memref<96xi32, #tpu.memory_space<vmem>>
    %dma_start3A_18 = tpu.memref_slice %arg3[%add3A_13] : memref<100000xi32, #tpu.memory_space<hbm>> -> memref<96xi32, #tpu.memory_space<hbm>>
    %dma_start3A_19 = arith.constant 0 : i32
    %dma_start3A_20 = tpu.memref_slice %arg8[%dma_start3A_14, %dma_start3A_19] : memref<4x96xi32, #tpu.memory_space<vmem>> -> memref<1x96xi32, #tpu.memory_space<vmem>>
    %dma_start3A_21 = tpu.memref_squeeze %dma_start3A_20 : memref<1x96xi32, #tpu.memory_space<vmem>> -> memref<96xi32, #tpu.memory_space<vmem>>
    %dma_start3A_22 = tpu.memref_slice %arg3[%add3A_13] : memref<100000xi32, #tpu.memory_space<hbm>> -> memref<96xi32, #tpu.memory_space<hbm>>
    tpu.enqueue_dma source(%dma_start3A_22 : memref<96xi32, #tpu.memory_space<hbm>>) target(%dma_start3A_21 : memref<96xi32, #tpu.memory_space<vmem>>) target_semaphore(%arg13 : memref<!tpu.dma_semaphore, #tpu.memory_space<semaphore_mem>>)
    %mul3A_23 = arith.constant 384 : i32
    %mul3A_24 = arith.muli %add3A_4, %mul3A_23 : i32
    %add3A_25 = arith.constant 96 : i32
    %add3A_26 = arith.addi %mul3A_24, %add3A_25 : i32
    %dma_start3A_27 = arith.constant 1 : i32
    %dma_start3A_28 = arith.constant 0 : i32
    %dma_start3A_29 = tpu.memref_slice %arg8[%dma_start3A_27, %dma_start3A_28] : memref<4x96xi32, #tpu.memory_space<vmem>> -> memref<1x96xi32, #tpu.memory_space<vmem>>
    %dma_start3A_30 = tpu.memref_squeeze %dma_start3A_29 : memref<1x96xi32, #tpu.memory_space<vmem>> -> memref<96xi32, #tpu.memory_space<vmem>>
    %dma_start3A_31 = tpu.memref_slice %arg3[%add3A_26] : memref<100000xi32, #tpu.memory_space<hbm>> -> memref<96xi32, #tpu.memory_space<hbm>>
    %dma_start3A_32 = arith.constant 0 : i32
    %dma_start3A_33 = tpu.memref_slice %arg8[%dma_start3A_27, %dma_start3A_32] : memref<4x96xi32, #tpu.memory_space<vmem>> -> memref<1x96xi32, #tpu.memory_space<vmem>>
    %dma_start3A_34 = tpu.memref_squeeze %dma_start3A_33 : memref<1x96xi32, #tpu.memory_space<vmem>> -> memref<96xi32, #tpu.memory_space<vmem>>
    %dma_start3A_35 = tpu.memref_slice %arg3[%add3A_26] : memref<100000xi32, #tpu.memory_space<hbm>> -> memref<96xi32, #tpu.memory_space<hbm>>
    tpu.enqueue_dma source(%dma_start3A_35 : memref<96xi32, #tpu.memory_space<hbm>>) target(%dma_start3A_34 : memref<96xi32, #tpu.memory_space<vmem>>) target_semaphore(%arg13 : memref<!tpu.dma_semaphore, #tpu.memory_space<semaphore_mem>>)
    %mul3A_36 = arith.constant 384 : i32
    %mul3A_37 = arith.muli %add3A_4, %mul3A_36 : i32
    %add3A_38 = arith.constant 192 : i32
    %add3A_39 = arith.addi %mul3A_37, %add3A_38 : i32
    %dma_start3A_40 = arith.constant 2 : i32
    %dma_start3A_41 = arith.constant 0 : i32
    %dma_start3A_42 = tpu.memref_slice %arg8[%dma_start3A_40, %dma_start3A_41] : memref<4x96xi32, #tpu.memory_space<vmem>> -> memref<1x96xi32, #tpu.memory_space<vmem>>
    %dma_start3A_43 = tpu.memref_squeeze %dma_start3A_42 : memref<1x96xi32, #tpu.memory_space<vmem>> -> memref<96xi32, #tpu.memory_space<vmem>>
    %dma_start3A_44 = tpu.memref_slice %arg3[%add3A_39] : memref<100000xi32, #tpu.memory_space<hbm>> -> memref<96xi32, #tpu.memory_space<hbm>>
    %dma_start3A_45 = arith.constant 0 : i32
    %dma_start3A_46 = tpu.memref_slice %arg8[%dma_start3A_40, %dma_start3A_45] : memref<4x96xi32, #tpu.memory_space<vmem>> -> memref<1x96xi32, #tpu.memory_space<vmem>>
    %dma_start3A_47 = tpu.memref_squeeze %dma_start3A_46 : memref<1x96xi32, #tpu.memory_space<vmem>> -> memref<96xi32, #tpu.memory_space<vmem>>
    %dma_start3A_48 = tpu.memref_slice %arg3[%add3A_39] : memref<100000xi32, #tpu.memory_space<hbm>> -> memref<96xi32, #tpu.memory_space<hbm>>
    tpu.enqueue_dma source(%dma_start3A_48 : memref<96xi32, #tpu.memory_space<hbm>>) target(%dma_start3A_47 : memref<96xi32, #tpu.memory_space<vmem>>) target_semaphore(%arg13 : memref<!tpu.dma_semaphore, #tpu.memory_space<semaphore_mem>>)
    %mul3A_49 = arith.constant 384 : i32
    %mul3A_50 = arith.muli %add3A_4, %mul3A_49 : i32
    %add3A_51 = arith.constant 288 : i32
    %add3A_52 = arith.addi %mul3A_50, %add3A_51 : i32
    %dma_start3A_53 = arith.constant 3 : i32
    %dma_start3A_54 = arith.constant 0 : i32
    %dma_start3A_55 = tpu.memref_slice %arg8[%dma_start3A_53, %dma_start3A_54] : memref<4x96xi32, #tpu.memory_space<vmem>> -> memref<1x96xi32, #tpu.memory_space<vmem>>
    %dma_start3A_56 = tpu.memref_squeeze %dma_start3A_55 : memref<1x96xi32, #tpu.memory_space<vmem>> -> memref<96xi32, #tpu.memory_space<vmem>>
    %dma_start3A_57 = tpu.memref_slice %arg3[%add3A_52] : memref<100000xi32, #tpu.memory_space<hbm>> -> memref<96xi32, #tpu.memory_space<hbm>>
    %dma_start3A_58 = arith.constant 0 : i32
    %dma_start3A_59 = tpu.memref_slice %arg8[%dma_start3A_53, %dma_start3A_58] : memref<4x96xi32, #tpu.memory_space<vmem>> -> memref<1x96xi32, #tpu.memory_space<vmem>>
    %dma_start3A_60 = tpu.memref_squeeze %dma_start3A_59 : memref<1x96xi32, #tpu.memory_space<vmem>> -> memref<96xi32, #tpu.memory_space<vmem>>
    %dma_start3A_61 = tpu.memref_slice %arg3[%add3A_52] : memref<100000xi32, #tpu.memory_space<hbm>> -> memref<96xi32, #tpu.memory_space<hbm>>
    tpu.enqueue_dma source(%dma_start3A_61 : memref<96xi32, #tpu.memory_space<hbm>>) target(%dma_start3A_60 : memref<96xi32, #tpu.memory_space<vmem>>) target_semaphore(%arg13 : memref<!tpu.dma_semaphore, #tpu.memory_space<semaphore_mem>>)
    %add3A_62 = arith.constant 32 : i32
    %add3A_63 = arith.addi %add3A_62, %add3A : i32
    %mul3A_64 = arith.constant 384 : i32
    %mul3A_65 = arith.muli %add3A_63, %mul3A_64 : i32
    %dma_start3A_66 = arith.constant 0 : i32
    %dma_start3A_67 = tpu.memref_slice %arg2[%mul3A_65, %dma_start3A_66] : memref<100000x128xf32, #tpu.memory_space<hbm>> -> memref<384x128xf32, #tpu.memory_space<hbm>>
    %dma_start3A_68 = arith.constant 0 : i32
    %dma_start3A_69 = tpu.memref_slice %arg2[%mul3A_65, %dma_start3A_68] : memref<100000x128xf32, #tpu.memory_space<hbm>> -> memref<384x128xf32, #tpu.memory_space<hbm>>
    tpu.enqueue_dma source(%dma_start3A_69 : memref<384x128xf32, #tpu.memory_space<hbm>>) target(%arg7 : memref<384x128xf32, #tpu.memory_space<vmem>>) target_semaphore(%arg12 : memref<!tpu.dma_semaphore, #tpu.memory_space<semaphore_mem>>)
    %mul3A_70 = arith.constant 384 : i32
    %mul3A_71 = arith.muli %add3A_63, %mul3A_70 : i32
    %add3A_72 = arith.constant 0 : i32
    %add3A_73 = arith.addi %mul3A_71, %add3A_72 : i32
    %dma_start3A_74 = arith.constant 0 : i32
    %dma_start3A_75 = arith.constant 0 : i32
    %dma_start3A_76 = tpu.memref_slice %arg9[%dma_start3A_74, %dma_start3A_75] : memref<4x96xi32, #tpu.memory_space<vmem>> -> memref<1x96xi32, #tpu.memory_space<vmem>>
    %dma_start3A_77 = tpu.memref_squeeze %dma_start3A_76 : memref<1x96xi32, #tpu.memory_space<vmem>> -> memref<96xi32, #tpu.memory_space<vmem>>
    %dma_start3A_78 = tpu.memref_slice %arg3[%add3A_73] : memref<100000xi32, #tpu.memory_space<hbm>> -> memref<96xi32, #tpu.memory_space<hbm>>
    %dma_start3A_79 = arith.constant 0 : i32
    %dma_start3A_80 = tpu.memref_slice %arg9[%dma_start3A_74, %dma_start3A_79] : memref<4x96xi32, #tpu.memory_space<vmem>> -> memref<1x96xi32, #tpu.memory_space<vmem>>
    %dma_start3A_81 = tpu.memref_squeeze %dma_start3A_80 : memref<1x96xi32, #tpu.memory_space<vmem>> -> memref<96xi32, #tpu.memory_space<vmem>>
    %dma_start3A_82 = tpu.memref_slice %arg3[%add3A_73] : memref<100000xi32, #tpu.memory_space<hbm>> -> memref<96xi32, #tpu.memory_space<hbm>>
    tpu.enqueue_dma source(%dma_start3A_82 : memref<96xi32, #tpu.memory_space<hbm>>) target(%dma_start3A_81 : memref<96xi32, #tpu.memory_space<vmem>>) target_semaphore(%arg14 : memref<!tpu.dma_semaphore, #tpu.memory_space<semaphore_mem>>)
    %mul3A_83 = arith.constant 384 : i32
    %mul3A_84 = arith.muli %add3A_63, %mul3A_83 : i32
    %add3A_85 = arith.constant 96 : i32
    %add3A_86 = arith.addi %mul3A_84, %add3A_85 : i32
    %dma_start3A_87 = arith.constant 1 : i32
    %dma_start3A_88 = arith.constant 0 : i32
    %dma_start3A_89 = tpu.memref_slice %arg9[%dma_start3A_87, %dma_start3A_88] : memref<4x96xi32, #tpu.memory_space<vmem>> -> memref<1x96xi32, #tpu.memory_space<vmem>>
    %dma_start3A_90 = tpu.memref_squeeze %dma_start3A_89 : memref<1x96xi32, #tpu.memory_space<vmem>> -> memref<96xi32, #tpu.memory_space<vmem>>
    %dma_start3A_91 = tpu.memref_slice %arg3[%add3A_86] : memref<100000xi32, #tpu.memory_space<hbm>> -> memref<96xi32, #tpu.memory_space<hbm>>
    %dma_start3A_92 = arith.constant 0 : i32
    %dma_start3A_93 = tpu.memref_slice %arg9[%dma_start3A_87, %dma_start3A_92] : memref<4x96xi32, #tpu.memory_space<vmem>> -> memref<1x96xi32, #tpu.memory_space<vmem>>
    %dma_start3A_94 = tpu.memref_squeeze %dma_start3A_93 : memref<1x96xi32, #tpu.memory_space<vmem>> -> memref<96xi32, #tpu.memory_space<vmem>>
    %dma_start3A_95 = tpu.memref_slice %arg3[%add3A_86] : memref<100000xi32, #tpu.memory_space<hbm>> -> memref<96xi32, #tpu.memory_space<hbm>>
    tpu.enqueue_dma source(%dma_start3A_95 : memref<96xi32, #tpu.memory_space<hbm>>) target(%dma_start3A_94 : memref<96xi32, #tpu.memory_space<vmem>>) target_semaphore(%arg14 : memref<!tpu.dma_semaphore, #tpu.memory_space<semaphore_mem>>)
    %mul3A_96 = arith.constant 384 : i32
    %mul3A_97 = arith.muli %add3A_63, %mul3A_96 : i32
    %add3A_98 = arith.constant 192 : i32
    %add3A_99 = arith.addi %mul3A_97, %add3A_98 : i32
    %dma_start3A_100 = arith.constant 2 : i32
    %dma_start3A_101 = arith.constant 0 : i32
    %dma_start3A_102 = tpu.memref_slice %arg9[%dma_start3A_100, %dma_start3A_101] : memref<4x96xi32, #tpu.memory_space<vmem>> -> memref<1x96xi32, #tpu.memory_space<vmem>>
    %dma_start3A_103 = tpu.memref_squeeze %dma_start3A_102 : memref<1x96xi32, #tpu.memory_space<vmem>> -> memref<96xi32, #tpu.memory_space<vmem>>
    %dma_start3A_104 = tpu.memref_slice %arg3[%add3A_99] : memref<100000xi32, #tpu.memory_space<hbm>> -> memref<96xi32, #tpu.memory_space<hbm>>
    %dma_start3A_105 = arith.constant 0 : i32
    %dma_start3A_106 = tpu.memref_slice %arg9[%dma_start3A_100, %dma_start3A_105] : memref<4x96xi32, #tpu.memory_space<vmem>> -> memref<1x96xi32, #tpu.memory_space<vmem>>
    %dma_start3A_107 = tpu.memref_squeeze %dma_start3A_106 : memref<1x96xi32, #tpu.memory_space<vmem>> -> memref<96xi32, #tpu.memory_space<vmem>>
    %dma_start3A_108 = tpu.memref_slice %arg3[%add3A_99] : memref<100000xi32, #tpu.memory_space<hbm>> -> memref<96xi32, #tpu.memory_space<hbm>>
    tpu.enqueue_dma source(%dma_start3A_108 : memref<96xi32, #tpu.memory_space<hbm>>) target(%dma_start3A_107 : memref<96xi32, #tpu.memory_space<vmem>>) target_semaphore(%arg14 : memref<!tpu.dma_semaphore, #tpu.memory_space<semaphore_mem>>)
    %mul3A_109 = arith.constant 384 : i32
    %mul3A_110 = arith.muli %add3A_63, %mul3A_109 : i32
    %add3A_111 = arith.constant 288 : i32
    %add3A_112 = arith.addi %mul3A_110, %add3A_111 : i32
    %dma_start3A_113 = arith.constant 3 : i32
    %dma_start3A_114 = arith.constant 0 : i32
    %dma_start3A_115 = tpu.memref_slice %arg9[%dma_start3A_113, %dma_start3A_114] : memref<4x96xi32, #tpu.memory_space<vmem>> -> memref<1x96xi32, #tpu.memory_space<vmem>>
    %dma_start3A_116 = tpu.memref_squeeze %dma_start3A_115 : memref<1x96xi32, #tpu.memory_space<vmem>> -> memref<96xi32, #tpu.memory_space<vmem>>
    %dma_start3A_117 = tpu.memref_slice %arg3[%add3A_112] : memref<100000xi32, #tpu.memory_space<hbm>> -> memref<96xi32, #tpu.memory_space<hbm>>
    %dma_start3A_118 = arith.constant 0 : i32
    %dma_start3A_119 = tpu.memref_slice %arg9[%dma_start3A_113, %dma_start3A_118] : memref<4x96xi32, #tpu.memory_space<vmem>> -> memref<1x96xi32, #tpu.memory_space<vmem>>
    %dma_start3A_120 = tpu.memref_squeeze %dma_start3A_119 : memref<1x96xi32, #tpu.memory_space<vmem>> -> memref<96xi32, #tpu.memory_space<vmem>>
    %dma_start3A_121 = tpu.memref_slice %arg3[%add3A_112] : memref<100000xi32, #tpu.memory_space<hbm>> -> memref<96xi32, #tpu.memory_space<hbm>>
    tpu.enqueue_dma source(%dma_start3A_121 : memref<96xi32, #tpu.memory_space<hbm>>) target(%dma_start3A_120 : memref<96xi32, #tpu.memory_space<vmem>>) target_semaphore(%arg14 : memref<!tpu.dma_semaphore, #tpu.memory_space<semaphore_mem>>)
    %add3A_122 = arith.constant 0 : i32
    %add3A_123 = arith.addi %add3A_122, %add3A : i32
    %mul3A_124 = arith.constant 384 : i32
    %mul3A_125 = arith.muli %add3A_123, %mul3A_124 : i32
    %dma_wait3A = arith.constant 0 : i32
    %dma_wait3A_126 = tpu.memref_slice %arg2[%mul3A_125, %dma_wait3A] : memref<100000x128xf32, #tpu.memory_space<hbm>> -> memref<384x128xf32, #tpu.memory_space<hbm>>
    %dma_wait3A_127 = arith.constant 0 : i32
    %dma_wait3A_128 = tpu.memref_slice %arg2[%mul3A_125, %dma_wait3A_127] : memref<100000x128xf32, #tpu.memory_space<hbm>> -> memref<384x128xf32, #tpu.memory_space<hbm>>
    tpu.wait_dma2 semaphore(%arg11 : memref<!tpu.dma_semaphore, #tpu.memory_space<semaphore_mem>>) src(%dma_wait3A_128 : memref<384x128xf32, #tpu.memory_space<hbm>>) dst(%arg6 : memref<384x128xf32, #tpu.memory_space<vmem>>)
    %mul3A_129 = arith.constant 384 : i32
    %mul3A_130 = arith.muli %add3A_123, %mul3A_129 : i32
    %add3A_131 = arith.constant 0 : i32
    %add3A_132 = arith.addi %mul3A_130, %add3A_131 : i32
    %dma_wait3A_133 = arith.constant 0 : i32
    %dma_wait3A_134 = arith.constant 0 : i32
    %dma_wait3A_135 = tpu.memref_slice %arg8[%dma_wait3A_133, %dma_wait3A_134] : memref<4x96xi32, #tpu.memory_space<vmem>> -> memref<1x96xi32, #tpu.memory_space<vmem>>
    %dma_wait3A_136 = tpu.memref_squeeze %dma_wait3A_135 : memref<1x96xi32, #tpu.memory_space<vmem>> -> memref<96xi32, #tpu.memory_space<vmem>>
    %dma_wait3A_137 = tpu.memref_slice %arg3[%add3A_132] : memref<100000xi32, #tpu.memory_space<hbm>> -> memref<96xi32, #tpu.memory_space<hbm>>
    %dma_wait3A_138 = arith.constant 0 : i32
    %dma_wait3A_139 = tpu.memref_slice %arg8[%dma_wait3A_133, %dma_wait3A_138] : memref<4x96xi32, #tpu.memory_space<vmem>> -> memref<1x96xi32, #tpu.memory_space<vmem>>
    %dma_wait3A_140 = tpu.memref_squeeze %dma_wait3A_139 : memref<1x96xi32, #tpu.memory_space<vmem>> -> memref<96xi32, #tpu.memory_space<vmem>>
    %dma_wait3A_141 = tpu.memref_slice %arg3[%add3A_132] : memref<100000xi32, #tpu.memory_space<hbm>> -> memref<96xi32, #tpu.memory_space<hbm>>
    tpu.wait_dma2 semaphore(%arg13 : memref<!tpu.dma_semaphore, #tpu.memory_space<semaphore_mem>>) src(%dma_wait3A_141 : memref<96xi32, #tpu.memory_space<hbm>>) dst(%dma_wait3A_140 : memref<96xi32, #tpu.memory_space<vmem>>)
    %mul3A_142 = arith.constant 384 : i32
    %mul3A_143 = arith.muli %add3A_123, %mul3A_142 : i32
    %add3A_144 = arith.constant 96 : i32
    %add3A_145 = arith.addi %mul3A_143, %add3A_144 : i32
    %dma_wait3A_146 = arith.constant 1 : i32
    %dma_wait3A_147 = arith.constant 0 : i32
    %dma_wait3A_148 = tpu.memref_slice %arg8[%dma_wait3A_146, %dma_wait3A_147] : memref<4x96xi32, #tpu.memory_space<vmem>> -> memref<1x96xi32, #tpu.memory_space<vmem>>
    %dma_wait3A_149 = tpu.memref_squeeze %dma_wait3A_148 : memref<1x96xi32, #tpu.memory_space<vmem>> -> memref<96xi32, #tpu.memory_space<vmem>>
    %dma_wait3A_150 = tpu.memref_slice %arg3[%add3A_145] : memref<100000xi32, #tpu.memory_space<hbm>> -> memref<96xi32, #tpu.memory_space<hbm>>
    %dma_wait3A_151 = arith.constant 0 : i32
    %dma_wait3A_152 = tpu.memref_slice %arg8[%dma_wait3A_146, %dma_wait3A_151] : memref<4x96xi32, #tpu.memory_space<vmem>> -> memref<1x96xi32, #tpu.memory_space<vmem>>
    %dma_wait3A_153 = tpu.memref_squeeze %dma_wait3A_152 : memref<1x96xi32, #tpu.memory_space<vmem>> -> memref<96xi32, #tpu.memory_space<vmem>>
    %dma_wait3A_154 = tpu.memref_slice %arg3[%add3A_145] : memref<100000xi32, #tpu.memory_space<hbm>> -> memref<96xi32, #tpu.memory_space<hbm>>
    tpu.wait_dma2 semaphore(%arg13 : memref<!tpu.dma_semaphore, #tpu.memory_space<semaphore_mem>>) src(%dma_wait3A_154 : memref<96xi32, #tpu.memory_space<hbm>>) dst(%dma_wait3A_153 : memref<96xi32, #tpu.memory_space<vmem>>)
    %mul3A_155 = arith.constant 384 : i32
    %mul3A_156 = arith.muli %add3A_123, %mul3A_155 : i32
    %add3A_157 = arith.constant 192 : i32
    %add3A_158 = arith.addi %mul3A_156, %add3A_157 : i32
    %dma_wait3A_159 = arith.constant 2 : i32
    %dma_wait3A_160 = arith.constant 0 : i32
    %dma_wait3A_161 = tpu.memref_slice %arg8[%dma_wait3A_159, %dma_wait3A_160] : memref<4x96xi32, #tpu.memory_space<vmem>> -> memref<1x96xi32, #tpu.memory_space<vmem>>
    %dma_wait3A_162 = tpu.memref_squeeze %dma_wait3A_161 : memref<1x96xi32, #tpu.memory_space<vmem>> -> memref<96xi32, #tpu.memory_space<vmem>>
    %dma_wait3A_163 = tpu.memref_slice %arg3[%add3A_158] : memref<100000xi32, #tpu.memory_space<hbm>> -> memref<96xi32, #tpu.memory_space<hbm>>
    %dma_wait3A_164 = arith.constant 0 : i32
    %dma_wait3A_165 = tpu.memref_slice %arg8[%dma_wait3A_159, %dma_wait3A_164] : memref<4x96xi32, #tpu.memory_space<vmem>> -> memref<1x96xi32, #tpu.memory_space<vmem>>
    %dma_wait3A_166 = tpu.memref_squeeze %dma_wait3A_165 : memref<1x96xi32, #tpu.memory_space<vmem>> -> memref<96xi32, #tpu.memory_space<vmem>>
    %dma_wait3A_167 = tpu.memref_slice %arg3[%add3A_158] : memref<100000xi32, #tpu.memory_space<hbm>> -> memref<96xi32, #tpu.memory_space<hbm>>
    tpu.wait_dma2 semaphore(%arg13 : memref<!tpu.dma_semaphore, #tpu.memory_space<semaphore_mem>>) src(%dma_wait3A_167 : memref<96xi32, #tpu.memory_space<hbm>>) dst(%dma_wait3A_166 : memref<96xi32, #tpu.memory_space<vmem>>)
    %mul3A_168 = arith.constant 384 : i32
    %mul3A_169 = arith.muli %add3A_123, %mul3A_168 : i32
    %add3A_170 = arith.constant 288 : i32
    %add3A_171 = arith.addi %mul3A_169, %add3A_170 : i32
    %dma_wait3A_172 = arith.constant 3 : i32
    %dma_wait3A_173 = arith.constant 0 : i32
    %dma_wait3A_174 = tpu.memref_slice %arg8[%dma_wait3A_172, %dma_wait3A_173] : memref<4x96xi32, #tpu.memory_space<vmem>> -> memref<1x96xi32, #tpu.memory_space<vmem>>
    %dma_wait3A_175 = tpu.memref_squeeze %dma_wait3A_174 : memref<1x96xi32, #tpu.memory_space<vmem>> -> memref<96xi32, #tpu.memory_space<vmem>>
    %dma_wait3A_176 = tpu.memref_slice %arg3[%add3A_171] : memref<100000xi32, #tpu.memory_space<hbm>> -> memref<96xi32, #tpu.memory_space<hbm>>
    %dma_wait3A_177 = arith.constant 0 : i32
    %dma_wait3A_178 = tpu.memref_slice %arg8[%dma_wait3A_172, %dma_wait3A_177] : memref<4x96xi32, #tpu.memory_space<vmem>> -> memref<1x96xi32, #tpu.memory_space<vmem>>
    %dma_wait3A_179 = tpu.memref_squeeze %dma_wait3A_178 : memref<1x96xi32, #tpu.memory_space<vmem>> -> memref<96xi32, #tpu.memory_space<vmem>>
    %dma_wait3A_180 = tpu.memref_slice %arg3[%add3A_171] : memref<100000xi32, #tpu.memory_space<hbm>> -> memref<96xi32, #tpu.memory_space<hbm>>
    tpu.wait_dma2 semaphore(%arg13 : memref<!tpu.dma_semaphore, #tpu.memory_space<semaphore_mem>>) src(%dma_wait3A_180 : memref<96xi32, #tpu.memory_space<hbm>>) dst(%dma_wait3A_179 : memref<96xi32, #tpu.memory_space<vmem>>)
    %dma_start3A_181 = arith.constant 0 : i32
    %dma_start3A_182 = arith.constant 0 : i32
    %dma_start3A_183 = arith.constant 0 : i32
    %dma_start3A_184 = tpu.memref_slice %arg6[%dma_start3A_182, %dma_start3A_183] : memref<384x128xf32, #tpu.memory_space<vmem>> -> memref<96x128xf32, #tpu.memory_space<vmem>>
    %dma_start3A_185 = arith.constant 0 : i32
    %dma_start3A_186 = tpu.memref_slice %arg8[%dma_start3A_181, %dma_start3A_185] : memref<4x96xi32, #tpu.memory_space<vmem>> -> memref<1x96xi32, #tpu.memory_space<vmem>>
    %dma_start3A_187 = tpu.memref_squeeze %dma_start3A_186 : memref<1x96xi32, #tpu.memory_space<vmem>> -> memref<96xi32, #tpu.memory_space<vmem>>
    %dma_start3A_188 = arith.constant 0 : i32
    %dma_start3A_189 = arith.constant 0 : i32
    %dma_start3A_190 = tpu.memref_slice %arg10[%dma_start3A_188, %dma_start3A_189] : memref<128x128xf32, #tpu.memory_space<vmem_shared>> -> memref<128x128xf32, #tpu.memory_space<vmem_shared>>
    tpu.enqueue_indirect_dma source(%dma_start3A_184 : memref<96x128xf32, #tpu.memory_space<vmem>>) target(%dma_start3A_190 : memref<128x128xf32, #tpu.memory_space<vmem_shared>>) offsets(%dma_start3A_187 : memref<96xi32, #tpu.memory_space<vmem>>) semaphore(%arg15 : memref<!tpu.dma_semaphore, #tpu.memory_space<semaphore_mem>>) {add = true}
    %dma_start3A_191 = arith.constant 1 : i32
    %dma_start3A_192 = arith.constant 96 : i32
    %dma_start3A_193 = arith.constant 0 : i32
    %dma_start3A_194 = tpu.memref_slice %arg6[%dma_start3A_192, %dma_start3A_193] : memref<384x128xf32, #tpu.memory_space<vmem>> -> memref<96x128xf32, #tpu.memory_space<vmem>>
    %dma_start3A_195 = arith.constant 0 : i32
    %dma_start3A_196 = tpu.memref_slice %arg8[%dma_start3A_191, %dma_start3A_195] : memref<4x96xi32, #tpu.memory_space<vmem>> -> memref<1x96xi32, #tpu.memory_space<vmem>>
    %dma_start3A_197 = tpu.memref_squeeze %dma_start3A_196 : memref<1x96xi32, #tpu.memory_space<vmem>> -> memref<96xi32, #tpu.memory_space<vmem>>
    %dma_start3A_198 = arith.constant 0 : i32
    %dma_start3A_199 = arith.constant 0 : i32
    %dma_start3A_200 = tpu.memref_slice %arg10[%dma_start3A_198, %dma_start3A_199] : memref<128x128xf32, #tpu.memory_space<vmem_shared>> -> memref<128x128xf32, #tpu.memory_space<vmem_shared>>
    tpu.enqueue_indirect_dma source(%dma_start3A_194 : memref<96x128xf32, #tpu.memory_space<vmem>>) target(%dma_start3A_200 : memref<128x128xf32, #tpu.memory_space<vmem_shared>>) offsets(%dma_start3A_197 : memref<96xi32, #tpu.memory_space<vmem>>) semaphore(%arg15 : memref<!tpu.dma_semaphore, #tpu.memory_space<semaphore_mem>>) {add = true}
    %dma_start3A_201 = arith.constant 2 : i32
    %dma_start3A_202 = arith.constant 192 : i32
    %dma_start3A_203 = arith.constant 0 : i32
    %dma_start3A_204 = tpu.memref_slice %arg6[%dma_start3A_202, %dma_start3A_203] : memref<384x128xf32, #tpu.memory_space<vmem>> -> memref<96x128xf32, #tpu.memory_space<vmem>>
    %dma_start3A_205 = arith.constant 0 : i32
    %dma_start3A_206 = tpu.memref_slice %arg8[%dma_start3A_201, %dma_start3A_205] : memref<4x96xi32, #tpu.memory_space<vmem>> -> memref<1x96xi32, #tpu.memory_space<vmem>>
    %dma_start3A_207 = tpu.memref_squeeze %dma_start3A_206 : memref<1x96xi32, #tpu.memory_space<vmem>> -> memref<96xi32, #tpu.memory_space<vmem>>
    %dma_start3A_208 = arith.constant 0 : i32
    %dma_start3A_209 = arith.constant 0 : i32
    %dma_start3A_210 = tpu.memref_slice %arg10[%dma_start3A_208, %dma_start3A_209] : memref<128x128xf32, #tpu.memory_space<vmem_shared>> -> memref<128x128xf32, #tpu.memory_space<vmem_shared>>
    tpu.enqueue_indirect_dma source(%dma_start3A_204 : memref<96x128xf32, #tpu.memory_space<vmem>>) target(%dma_start3A_210 : memref<128x128xf32, #tpu.memory_space<vmem_shared>>) offsets(%dma_start3A_207 : memref<96xi32, #tpu.memory_space<vmem>>) semaphore(%arg15 : memref<!tpu.dma_semaphore, #tpu.memory_space<semaphore_mem>>) {add = true}
    %dma_start3A_211 = arith.constant 3 : i32
    %dma_start3A_212 = arith.constant 288 : i32
    %dma_start3A_213 = arith.constant 0 : i32
    %dma_start3A_214 = tpu.memref_slice %arg6[%dma_start3A_212, %dma_start3A_213] : memref<384x128xf32, #tpu.memory_space<vmem>> -> memref<96x128xf32, #tpu.memory_space<vmem>>
    %dma_start3A_215 = arith.constant 0 : i32
    %dma_start3A_216 = tpu.memref_slice %arg8[%dma_start3A_211, %dma_start3A_215] : memref<4x96xi32, #tpu.memory_space<vmem>> -> memref<1x96xi32, #tpu.memory_space<vmem>>
    %dma_start3A_217 = tpu.memref_squeeze %dma_start3A_216 : memref<1x96xi32, #tpu.memory_space<vmem>> -> memref<96xi32, #tpu.memory_space<vmem>>
    %dma_start3A_218 = arith.constant 0 : i32
    %dma_start3A_219 = arith.constant 0 : i32
    %dma_start3A_220 = tpu.memref_slice %arg10[%dma_start3A_218, %dma_start3A_219] : memref<128x128xf32, #tpu.memory_space<vmem_shared>> -> memref<128x128xf32, #tpu.memory_space<vmem_shared>>
    tpu.enqueue_indirect_dma source(%dma_start3A_214 : memref<96x128xf32, #tpu.memory_space<vmem>>) target(%dma_start3A_220 : memref<128x128xf32, #tpu.memory_space<vmem_shared>>) offsets(%dma_start3A_217 : memref<96xi32, #tpu.memory_space<vmem>>) semaphore(%arg15 : memref<!tpu.dma_semaphore, #tpu.memory_space<semaphore_mem>>) {add = true}
    %dma_wait3A_221 = arith.constant 0 : i32
    %dma_wait3A_222 = arith.constant 0 : i32
    %dma_wait3A_223 = arith.constant 0 : i32
    %dma_wait3A_224 = tpu.memref_slice %arg6[%dma_wait3A_222, %dma_wait3A_223] : memref<384x128xf32, #tpu.memory_space<vmem>> -> memref<96x128xf32, #tpu.memory_space<vmem>>
    %dma_wait3A_225 = arith.constant 0 : i32
    %dma_wait3A_226 = tpu.memref_slice %arg8[%dma_wait3A_221, %dma_wait3A_225] : memref<4x96xi32, #tpu.memory_space<vmem>> -> memref<1x96xi32, #tpu.memory_space<vmem>>
    %dma_wait3A_227 = tpu.memref_squeeze %dma_wait3A_226 : memref<1x96xi32, #tpu.memory_space<vmem>> -> memref<96xi32, #tpu.memory_space<vmem>>
    %dma_wait3A_228 = arith.constant 0 : i32
    %dma_wait3A_229 = arith.constant 0 : i32
    %dma_wait3A_230 = tpu.memref_slice %arg10[%dma_wait3A_228, %dma_wait3A_229] : memref<128x128xf32, #tpu.memory_space<vmem_shared>> -> memref<128x128xf32, #tpu.memory_space<vmem_shared>>
    tpu.wait_indirect_dma semaphore(%arg15 : memref<!tpu.dma_semaphore, #tpu.memory_space<semaphore_mem>>) src(%dma_wait3A_224 : memref<96x128xf32, #tpu.memory_space<vmem>>) dst(%dma_wait3A_230 : memref<128x128xf32, #tpu.memory_space<vmem_shared>>)
    %dma_wait3A_231 = arith.constant 1 : i32
    %dma_wait3A_232 = arith.constant 96 : i32
    %dma_wait3A_233 = arith.constant 0 : i32
    %dma_wait3A_234 = tpu.memref_slice %arg6[%dma_wait3A_232, %dma_wait3A_233] : memref<384x128xf32, #tpu.memory_space<vmem>> -> memref<96x128xf32, #tpu.memory_space<vmem>>
    %dma_wait3A_235 = arith.constant 0 : i32
    %dma_wait3A_236 = tpu.memref_slice %arg8[%dma_wait3A_231, %dma_wait3A_235] : memref<4x96xi32, #tpu.memory_space<vmem>> -> memref<1x96xi32, #tpu.memory_space<vmem>>
    %dma_wait3A_237 = tpu.memref_squeeze %dma_wait3A_236 : memref<1x96xi32, #tpu.memory_space<vmem>> -> memref<96xi32, #tpu.memory_space<vmem>>
    %dma_wait3A_238 = arith.constant 0 : i32
    %dma_wait3A_239 = arith.constant 0 : i32
    %dma_wait3A_240 = tpu.memref_slice %arg10[%dma_wait3A_238, %dma_wait3A_239] : memref<128x128xf32, #tpu.memory_space<vmem_shared>> -> memref<128x128xf32, #tpu.memory_space<vmem_shared>>
    tpu.wait_indirect_dma semaphore(%arg15 : memref<!tpu.dma_semaphore, #tpu.memory_space<semaphore_mem>>) src(%dma_wait3A_234 : memref<96x128xf32, #tpu.memory_space<vmem>>) dst(%dma_wait3A_240 : memref<128x128xf32, #tpu.memory_space<vmem_shared>>)
    %dma_wait3A_241 = arith.constant 2 : i32
    %dma_wait3A_242 = arith.constant 192 : i32
    %dma_wait3A_243 = arith.constant 0 : i32
    %dma_wait3A_244 = tpu.memref_slice %arg6[%dma_wait3A_242, %dma_wait3A_243] : memref<384x128xf32, #tpu.memory_space<vmem>> -> memref<96x128xf32, #tpu.memory_space<vmem>>
    %dma_wait3A_245 = arith.constant 0 : i32
    %dma_wait3A_246 = tpu.memref_slice %arg8[%dma_wait3A_241, %dma_wait3A_245] : memref<4x96xi32, #tpu.memory_space<vmem>> -> memref<1x96xi32, #tpu.memory_space<vmem>>
    %dma_wait3A_247 = tpu.memref_squeeze %dma_wait3A_246 : memref<1x96xi32, #tpu.memory_space<vmem>> -> memref<96xi32, #tpu.memory_space<vmem>>
    %dma_wait3A_248 = arith.constant 0 : i32
    %dma_wait3A_249 = arith.constant 0 : i32
    %dma_wait3A_250 = tpu.memref_slice %arg10[%dma_wait3A_248, %dma_wait3A_249] : memref<128x128xf32, #tpu.memory_space<vmem_shared>> -> memref<128x128xf32, #tpu.memory_space<vmem_shared>>
    tpu.wait_indirect_dma semaphore(%arg15 : memref<!tpu.dma_semaphore, #tpu.memory_space<semaphore_mem>>) src(%dma_wait3A_244 : memref<96x128xf32, #tpu.memory_space<vmem>>) dst(%dma_wait3A_250 : memref<128x128xf32, #tpu.memory_space<vmem_shared>>)
    %dma_wait3A_251 = arith.constant 3 : i32
    %dma_wait3A_252 = arith.constant 288 : i32
    %dma_wait3A_253 = arith.constant 0 : i32
    %dma_wait3A_254 = tpu.memref_slice %arg6[%dma_wait3A_252, %dma_wait3A_253] : memref<384x128xf32, #tpu.memory_space<vmem>> -> memref<96x128xf32, #tpu.memory_space<vmem>>
    %dma_wait3A_255 = arith.constant 0 : i32
    %dma_wait3A_256 = tpu.memref_slice %arg8[%dma_wait3A_251, %dma_wait3A_255] : memref<4x96xi32, #tpu.memory_space<vmem>> -> memref<1x96xi32, #tpu.memory_space<vmem>>
    %dma_wait3A_257 = tpu.memref_squeeze %dma_wait3A_256 : memref<1x96xi32, #tpu.memory_space<vmem>> -> memref<96xi32, #tpu.memory_space<vmem>>
    %dma_wait3A_258 = arith.constant 0 : i32
    %dma_wait3A_259 = arith.constant 0 : i32
    %dma_wait3A_260 = tpu.memref_slice %arg10[%dma_wait3A_258, %dma_wait3A_259] : memref<128x128xf32, #tpu.memory_space<vmem_shared>> -> memref<128x128xf32, #tpu.memory_space<vmem_shared>>
    tpu.wait_indirect_dma semaphore(%arg15 : memref<!tpu.dma_semaphore, #tpu.memory_space<semaphore_mem>>) src(%dma_wait3A_254 : memref<96x128xf32, #tpu.memory_space<vmem>>) dst(%dma_wait3A_260 : memref<128x128xf32, #tpu.memory_space<vmem_shared>>)
    %add3A_261 = arith.constant 64 : i32
    %add3A_262 = arith.addi %add3A_261, %add3A : i32
    %mul3A_263 = arith.constant 384 : i32
    %mul3A_264 = arith.muli %add3A_262, %mul3A_263 : i32
    %dma_start3A_265 = arith.constant 0 : i32
    %dma_start3A_266 = tpu.memref_slice %arg2[%mul3A_264, %dma_start3A_265] : memref<100000x128xf32, #tpu.memory_space<hbm>> -> memref<384x128xf32, #tpu.memory_space<hbm>>
    %dma_start3A_267 = arith.constant 0 : i32
    %dma_start3A_268 = tpu.memref_slice %arg2[%mul3A_264, %dma_start3A_267] : memref<100000x128xf32, #tpu.memory_space<hbm>> -> memref<384x128xf32, #tpu.memory_space<hbm>>
    tpu.enqueue_dma source(%dma_start3A_268 : memref<384x128xf32, #tpu.memory_space<hbm>>) target(%arg6 : memref<384x128xf32, #tpu.memory_space<vmem>>) target_semaphore(%arg11 : memref<!tpu.dma_semaphore, #tpu.memory_space<semaphore_mem>>)
    %mul3A_269 = arith.constant 384 : i32
    %mul3A_270 = arith.muli %add3A_262, %mul3A_269 : i32
    %add3A_271 = arith.constant 0 : i32
    %add3A_272 = arith.addi %mul3A_270, %add3A_271 : i32
    %dma_start3A_273 = arith.constant 0 : i32
    %dma_start3A_274 = arith.constant 0 : i32
    %dma_start3A_275 = tpu.memref_slice %arg8[%dma_start3A_273, %dma_start3A_274] : memref<4x96xi32, #tpu.memory_space<vmem>> -> memref<1x96xi32, #tpu.memory_space<vmem>>
    %dma_start3A_276 = tpu.memref_squeeze %dma_start3A_275 : memref<1x96xi32, #tpu.memory_space<vmem>> -> memref<96xi32, #tpu.memory_space<vmem>>
    %dma_start3A_277 = tpu.memref_slice %arg3[%add3A_272] : memref<100000xi32, #tpu.memory_space<hbm>> -> memref<96xi32, #tpu.memory_space<hbm>>
    %dma_start3A_278 = arith.constant 0 : i32
    %dma_start3A_279 = tpu.memref_slice %arg8[%dma_start3A_273, %dma_start3A_278] : memref<4x96xi32, #tpu.memory_space<vmem>> -> memref<1x96xi32, #tpu.memory_space<vmem>>
    %dma_start3A_280 = tpu.memref_squeeze %dma_start3A_279 : memref<1x96xi32, #tpu.memory_space<vmem>> -> memref<96xi32, #tpu.memory_space<vmem>>
    %dma_start3A_281 = tpu.memref_slice %arg3[%add3A_272] : memref<100000xi32, #tpu.memory_space<hbm>> -> memref<96xi32, #tpu.memory_space<hbm>>
    tpu.enqueue_dma source(%dma_start3A_281 : memref<96xi32, #tpu.memory_space<hbm>>) target(%dma_start3A_280 : memref<96xi32, #tpu.memory_space<vmem>>) target_semaphore(%arg13 : memref<!tpu.dma_semaphore, #tpu.memory_space<semaphore_mem>>)
    %mul3A_282 = arith.constant 384 : i32
    %mul3A_283 = arith.muli %add3A_262, %mul3A_282 : i32
    %add3A_284 = arith.constant 96 : i32
    %add3A_285 = arith.addi %mul3A_283, %add3A_284 : i32
    %dma_start3A_286 = arith.constant 1 : i32
    %dma_start3A_287 = arith.constant 0 : i32
    %dma_start3A_288 = tpu.memref_slice %arg8[%dma_start3A_286, %dma_start3A_287] : memref<4x96xi32, #tpu.memory_space<vmem>> -> memref<1x96xi32, #tpu.memory_space<vmem>>
    %dma_start3A_289 = tpu.memref_squeeze %dma_start3A_288 : memref<1x96xi32, #tpu.memory_space<vmem>> -> memref<96xi32, #tpu.memory_space<vmem>>
    %dma_start3A_290 = tpu.memref_slice %arg3[%add3A_285] : memref<100000xi32, #tpu.memory_space<hbm>> -> memref<96xi32, #tpu.memory_space<hbm>>
    %dma_start3A_291 = arith.constant 0 : i32
    %dma_start3A_292 = tpu.memref_slice %arg8[%dma_start3A_286, %dma_start3A_291] : memref<4x96xi32, #tpu.memory_space<vmem>> -> memref<1x96xi32, #tpu.memory_space<vmem>>
    %dma_start3A_293 = tpu.memref_squeeze %dma_start3A_292 : memref<1x96xi32, #tpu.memory_space<vmem>> -> memref<96xi32, #tpu.memory_space<vmem>>
    %dma_start3A_294 = tpu.memref_slice %arg3[%add3A_285] : memref<100000xi32, #tpu.memory_space<hbm>> -> memref<96xi32, #tpu.memory_space<hbm>>
    tpu.enqueue_dma source(%dma_start3A_294 : memref<96xi32, #tpu.memory_space<hbm>>) target(%dma_start3A_293 : memref<96xi32, #tpu.memory_space<vmem>>) target_semaphore(%arg13 : memref<!tpu.dma_semaphore, #tpu.memory_space<semaphore_mem>>)
    %mul3A_295 = arith.constant 384 : i32
    %mul3A_296 = arith.muli %add3A_262, %mul3A_295 : i32
    %add3A_297 = arith.constant 192 : i32
    %add3A_298 = arith.addi %mul3A_296, %add3A_297 : i32
    %dma_start3A_299 = arith.constant 2 : i32
    %dma_start3A_300 = arith.constant 0 : i32
    %dma_start3A_301 = tpu.memref_slice %arg8[%dma_start3A_299, %dma_start3A_300] : memref<4x96xi32, #tpu.memory_space<vmem>> -> memref<1x96xi32, #tpu.memory_space<vmem>>
    %dma_start3A_302 = tpu.memref_squeeze %dma_start3A_301 : memref<1x96xi32, #tpu.memory_space<vmem>> -> memref<96xi32, #tpu.memory_space<vmem>>
    %dma_start3A_303 = tpu.memref_slice %arg3[%add3A_298] : memref<100000xi32, #tpu.memory_space<hbm>> -> memref<96xi32, #tpu.memory_space<hbm>>
    %dma_start3A_304 = arith.constant 0 : i32
    %dma_start3A_305 = tpu.memref_slice %arg8[%dma_start3A_299, %dma_start3A_304] : memref<4x96xi32, #tpu.memory_space<vmem>> -> memref<1x96xi32, #tpu.memory_space<vmem>>
    %dma_start3A_306 = tpu.memref_squeeze %dma_start3A_305 : memref<1x96xi32, #tpu.memory_space<vmem>> -> memref<96xi32, #tpu.memory_space<vmem>>
    %dma_start3A_307 = tpu.memref_slice %arg3[%add3A_298] : memref<100000xi32, #tpu.memory_space<hbm>> -> memref<96xi32, #tpu.memory_space<hbm>>
    tpu.enqueue_dma source(%dma_start3A_307 : memref<96xi32, #tpu.memory_space<hbm>>) target(%dma_start3A_306 : memref<96xi32, #tpu.memory_space<vmem>>) target_semaphore(%arg13 : memref<!tpu.dma_semaphore, #tpu.memory_space<semaphore_mem>>)
    %mul3A_308 = arith.constant 384 : i32
    %mul3A_309 = arith.muli %add3A_262, %mul3A_308 : i32
    %add3A_310 = arith.constant 288 : i32
    %add3A_311 = arith.addi %mul3A_309, %add3A_310 : i32
    %dma_start3A_312 = arith.constant 3 : i32
    %dma_start3A_313 = arith.constant 0 : i32
    %dma_start3A_314 = tpu.memref_slice %arg8[%dma_start3A_312, %dma_start3A_313] : memref<4x96xi32, #tpu.memory_space<vmem>> -> memref<1x96xi32, #tpu.memory_space<vmem>>
    %dma_start3A_315 = tpu.memref_squeeze %dma_start3A_314 : memref<1x96xi32, #tpu.memory_space<vmem>> -> memref<96xi32, #tpu.memory_space<vmem>>
    %dma_start3A_316 = tpu.memref_slice %arg3[%add3A_311] : memref<100000xi32, #tpu.memory_space<hbm>> -> memref<96xi32, #tpu.memory_space<hbm>>
    %dma_start3A_317 = arith.constant 0 : i32
    %dma_start3A_318 = tpu.memref_slice %arg8[%dma_start3A_312, %dma_start3A_317] : memref<4x96xi32, #tpu.memory_space<vmem>> -> memref<1x96xi32, #tpu.memory_space<vmem>>
    %dma_start3A_319 = tpu.memref_squeeze %dma_start3A_318 : memref<1x96xi32, #tpu.memory_space<vmem>> -> memref<96xi32, #tpu.memory_space<vmem>>
    %dma_start3A_320 = tpu.memref_slice %arg3[%add3A_311] : memref<100000xi32, #tpu.memory_space<hbm>> -> memref<96xi32, #tpu.memory_space<hbm>>
    tpu.enqueue_dma source(%dma_start3A_320 : memref<96xi32, #tpu.memory_space<hbm>>) target(%dma_start3A_319 : memref<96xi32, #tpu.memory_space<vmem>>) target_semaphore(%arg13 : memref<!tpu.dma_semaphore, #tpu.memory_space<semaphore_mem>>)
    %add3A_321 = arith.constant 32 : i32
    %add3A_322 = arith.addi %add3A_321, %add3A : i32
    %mul3A_323 = arith.constant 384 : i32
    %mul3A_324 = arith.muli %add3A_322, %mul3A_323 : i32
    %dma_wait3A_325 = arith.constant 0 : i32
    %dma_wait3A_326 = tpu.memref_slice %arg2[%mul3A_324, %dma_wait3A_325] : memref<100000x128xf32, #tpu.memory_space<hbm>> -> memref<384x128xf32, #tpu.memory_space<hbm>>
    %dma_wait3A_327 = arith.constant 0 : i32
    %dma_wait3A_328 = tpu.memref_slice %arg2[%mul3A_324, %dma_wait3A_327] : memref<100000x128xf32, #tpu.memory_space<hbm>> -> memref<384x128xf32, #tpu.memory_space<hbm>>
    tpu.wait_dma2 semaphore(%arg12 : memref<!tpu.dma_semaphore, #tpu.memory_space<semaphore_mem>>) src(%dma_wait3A_328 : memref<384x128xf32, #tpu.memory_space<hbm>>) dst(%arg7 : memref<384x128xf32, #tpu.memory_space<vmem>>)
    %mul3A_329 = arith.constant 384 : i32
    %mul3A_330 = arith.muli %add3A_322, %mul3A_329 : i32
    %add3A_331 = arith.constant 0 : i32
    %add3A_332 = arith.addi %mul3A_330, %add3A_331 : i32
    %dma_wait3A_333 = arith.constant 0 : i32
    %dma_wait3A_334 = arith.constant 0 : i32
    %dma_wait3A_335 = tpu.memref_slice %arg9[%dma_wait3A_333, %dma_wait3A_334] : memref<4x96xi32, #tpu.memory_space<vmem>> -> memref<1x96xi32, #tpu.memory_space<vmem>>
    %dma_wait3A_336 = tpu.memref_squeeze %dma_wait3A_335 : memref<1x96xi32, #tpu.memory_space<vmem>> -> memref<96xi32, #tpu.memory_space<vmem>>
    %dma_wait3A_337 = tpu.memref_slice %arg3[%add3A_332] : memref<100000xi32, #tpu.memory_space<hbm>> -> memref<96xi32, #tpu.memory_space<hbm>>
    %dma_wait3A_338 = arith.constant 0 : i32
    %dma_wait3A_339 = tpu.memref_slice %arg9[%dma_wait3A_333, %dma_wait3A_338] : memref<4x96xi32, #tpu.memory_space<vmem>> -> memref<1x96xi32, #tpu.memory_space<vmem>>
    %dma_wait3A_340 = tpu.memref_squeeze %dma_wait3A_339 : memref<1x96xi32, #tpu.memory_space<vmem>> -> memref<96xi32, #tpu.memory_space<vmem>>
    %dma_wait3A_341 = tpu.memref_slice %arg3[%add3A_332] : memref<100000xi32, #tpu.memory_space<hbm>> -> memref<96xi32, #tpu.memory_space<hbm>>
    tpu.wait_dma2 semaphore(%arg14 : memref<!tpu.dma_semaphore, #tpu.memory_space<semaphore_mem>>) src(%dma_wait3A_341 : memref<96xi32, #tpu.memory_space<hbm>>) dst(%dma_wait3A_340 : memref<96xi32, #tpu.memory_space<vmem>>)
    %mul3A_342 = arith.constant 384 : i32
    %mul3A_343 = arith.muli %add3A_322, %mul3A_342 : i32
    %add3A_344 = arith.constant 96 : i32
    %add3A_345 = arith.addi %mul3A_343, %add3A_344 : i32
    %dma_wait3A_346 = arith.constant 1 : i32
    %dma_wait3A_347 = arith.constant 0 : i32
    %dma_wait3A_348 = tpu.memref_slice %arg9[%dma_wait3A_346, %dma_wait3A_347] : memref<4x96xi32, #tpu.memory_space<vmem>> -> memref<1x96xi32, #tpu.memory_space<vmem>>
    %dma_wait3A_349 = tpu.memref_squeeze %dma_wait3A_348 : memref<1x96xi32, #tpu.memory_space<vmem>> -> memref<96xi32, #tpu.memory_space<vmem>>
    %dma_wait3A_350 = tpu.memref_slice %arg3[%add3A_345] : memref<100000xi32, #tpu.memory_space<hbm>> -> memref<96xi32, #tpu.memory_space<hbm>>
    %dma_wait3A_351 = arith.constant 0 : i32
    %dma_wait3A_352 = tpu.memref_slice %arg9[%dma_wait3A_346, %dma_wait3A_351] : memref<4x96xi32, #tpu.memory_space<vmem>> -> memref<1x96xi32, #tpu.memory_space<vmem>>
    %dma_wait3A_353 = tpu.memref_squeeze %dma_wait3A_352 : memref<1x96xi32, #tpu.memory_space<vmem>> -> memref<96xi32, #tpu.memory_space<vmem>>
    %dma_wait3A_354 = tpu.memref_slice %arg3[%add3A_345] : memref<100000xi32, #tpu.memory_space<hbm>> -> memref<96xi32, #tpu.memory_space<hbm>>
    tpu.wait_dma2 semaphore(%arg14 : memref<!tpu.dma_semaphore, #tpu.memory_space<semaphore_mem>>) src(%dma_wait3A_354 : memref<96xi32, #tpu.memory_space<hbm>>) dst(%dma_wait3A_353 : memref<96xi32, #tpu.memory_space<vmem>>)
    %mul3A_355 = arith.constant 384 : i32
    %mul3A_356 = arith.muli %add3A_322, %mul3A_355 : i32
    %add3A_357 = arith.constant 192 : i32
    %add3A_358 = arith.addi %mul3A_356, %add3A_357 : i32
    %dma_wait3A_359 = arith.constant 2 : i32
    %dma_wait3A_360 = arith.constant 0 : i32
    %dma_wait3A_361 = tpu.memref_slice %arg9[%dma_wait3A_359, %dma_wait3A_360] : memref<4x96xi32, #tpu.memory_space<vmem>> -> memref<1x96xi32, #tpu.memory_space<vmem>>
    %dma_wait3A_362 = tpu.memref_squeeze %dma_wait3A_361 : memref<1x96xi32, #tpu.memory_space<vmem>> -> memref<96xi32, #tpu.memory_space<vmem>>
    %dma_wait3A_363 = tpu.memref_slice %arg3[%add3A_358] : memref<100000xi32, #tpu.memory_space<hbm>> -> memref<96xi32, #tpu.memory_space<hbm>>
    %dma_wait3A_364 = arith.constant 0 : i32
    %dma_wait3A_365 = tpu.memref_slice %arg9[%dma_wait3A_359, %dma_wait3A_364] : memref<4x96xi32, #tpu.memory_space<vmem>> -> memref<1x96xi32, #tpu.memory_space<vmem>>
    %dma_wait3A_366 = tpu.memref_squeeze %dma_wait3A_365 : memref<1x96xi32, #tpu.memory_space<vmem>> -> memref<96xi32, #tpu.memory_space<vmem>>
    %dma_wait3A_367 = tpu.memref_slice %arg3[%add3A_358] : memref<100000xi32, #tpu.memory_space<hbm>> -> memref<96xi32, #tpu.memory_space<hbm>>
    tpu.wait_dma2 semaphore(%arg14 : memref<!tpu.dma_semaphore, #tpu.memory_space<semaphore_mem>>) src(%dma_wait3A_367 : memref<96xi32, #tpu.memory_space<hbm>>) dst(%dma_wait3A_366 : memref<96xi32, #tpu.memory_space<vmem>>)
    %mul3A_368 = arith.constant 384 : i32
    %mul3A_369 = arith.muli %add3A_322, %mul3A_368 : i32
    %add3A_370 = arith.constant 288 : i32
    %add3A_371 = arith.addi %mul3A_369, %add3A_370 : i32
    %dma_wait3A_372 = arith.constant 3 : i32
    %dma_wait3A_373 = arith.constant 0 : i32
    %dma_wait3A_374 = tpu.memref_slice %arg9[%dma_wait3A_372, %dma_wait3A_373] : memref<4x96xi32, #tpu.memory_space<vmem>> -> memref<1x96xi32, #tpu.memory_space<vmem>>
    %dma_wait3A_375 = tpu.memref_squeeze %dma_wait3A_374 : memref<1x96xi32, #tpu.memory_space<vmem>> -> memref<96xi32, #tpu.memory_space<vmem>>
    %dma_wait3A_376 = tpu.memref_slice %arg3[%add3A_371] : memref<100000xi32, #tpu.memory_space<hbm>> -> memref<96xi32, #tpu.memory_space<hbm>>
    %dma_wait3A_377 = arith.constant 0 : i32
    %dma_wait3A_378 = tpu.memref_slice %arg9[%dma_wait3A_372, %dma_wait3A_377] : memref<4x96xi32, #tpu.memory_space<vmem>> -> memref<1x96xi32, #tpu.memory_space<vmem>>
    %dma_wait3A_379 = tpu.memref_squeeze %dma_wait3A_378 : memref<1x96xi32, #tpu.memory_space<vmem>> -> memref<96xi32, #tpu.memory_space<vmem>>
    %dma_wait3A_380 = tpu.memref_slice %arg3[%add3A_371] : memref<100000xi32, #tpu.memory_space<hbm>> -> memref<96xi32, #tpu.memory_space<hbm>>
    tpu.wait_dma2 semaphore(%arg14 : memref<!tpu.dma_semaphore, #tpu.memory_space<semaphore_mem>>) src(%dma_wait3A_380 : memref<96xi32, #tpu.memory_space<hbm>>) dst(%dma_wait3A_379 : memref<96xi32, #tpu.memory_space<vmem>>)
    %dma_start3A_381 = arith.constant 0 : i32
    %dma_start3A_382 = arith.constant 0 : i32
    %dma_start3A_383 = arith.constant 0 : i32
    %dma_start3A_384 = tpu.memref_slice %arg7[%dma_start3A_382, %dma_start3A_383] : memref<384x128xf32, #tpu.memory_space<vmem>> -> memref<96x128xf32, #tpu.memory_space<vmem>>
    %dma_start3A_385 = arith.constant 0 : i32
    %dma_start3A_386 = tpu.memref_slice %arg9[%dma_start3A_381, %dma_start3A_385] : memref<4x96xi32, #tpu.memory_space<vmem>> -> memref<1x96xi32, #tpu.memory_space<vmem>>
    %dma_start3A_387 = tpu.memref_squeeze %dma_start3A_386 : memref<1x96xi32, #tpu.memory_space<vmem>> -> memref<96xi32, #tpu.memory_space<vmem>>
    %dma_start3A_388 = arith.constant 0 : i32
    %dma_start3A_389 = arith.constant 0 : i32
    %dma_start3A_390 = tpu.memref_slice %arg10[%dma_start3A_388, %dma_start3A_389] : memref<128x128xf32, #tpu.memory_space<vmem_shared>> -> memref<128x128xf32, #tpu.memory_space<vmem_shared>>
    tpu.enqueue_indirect_dma source(%dma_start3A_384 : memref<96x128xf32, #tpu.memory_space<vmem>>) target(%dma_start3A_390 : memref<128x128xf32, #tpu.memory_space<vmem_shared>>) offsets(%dma_start3A_387 : memref<96xi32, #tpu.memory_space<vmem>>) semaphore(%arg16 : memref<!tpu.dma_semaphore, #tpu.memory_space<semaphore_mem>>) {add = true}
    %dma_start3A_391 = arith.constant 1 : i32
    %dma_start3A_392 = arith.constant 96 : i32
    %dma_start3A_393 = arith.constant 0 : i32
    %dma_start3A_394 = tpu.memref_slice %arg7[%dma_start3A_392, %dma_start3A_393] : memref<384x128xf32, #tpu.memory_space<vmem>> -> memref<96x128xf32, #tpu.memory_space<vmem>>
    %dma_start3A_395 = arith.constant 0 : i32
    %dma_start3A_396 = tpu.memref_slice %arg9[%dma_start3A_391, %dma_start3A_395] : memref<4x96xi32, #tpu.memory_space<vmem>> -> memref<1x96xi32, #tpu.memory_space<vmem>>
    %dma_start3A_397 = tpu.memref_squeeze %dma_start3A_396 : memref<1x96xi32, #tpu.memory_space<vmem>> -> memref<96xi32, #tpu.memory_space<vmem>>
    %dma_start3A_398 = arith.constant 0 : i32
    %dma_start3A_399 = arith.constant 0 : i32
    %dma_start3A_400 = tpu.memref_slice %arg10[%dma_start3A_398, %dma_start3A_399] : memref<128x128xf32, #tpu.memory_space<vmem_shared>> -> memref<128x128xf32, #tpu.memory_space<vmem_shared>>
    tpu.enqueue_indirect_dma source(%dma_start3A_394 : memref<96x128xf32, #tpu.memory_space<vmem>>) target(%dma_start3A_400 : memref<128x128xf32, #tpu.memory_space<vmem_shared>>) offsets(%dma_start3A_397 : memref<96xi32, #tpu.memory_space<vmem>>) semaphore(%arg16 : memref<!tpu.dma_semaphore, #tpu.memory_space<semaphore_mem>>) {add = true}
    %dma_start3A_401 = arith.constant 2 : i32
    %dma_start3A_402 = arith.constant 192 : i32
    %dma_start3A_403 = arith.constant 0 : i32
    %dma_start3A_404 = tpu.memref_slice %arg7[%dma_start3A_402, %dma_start3A_403] : memref<384x128xf32, #tpu.memory_space<vmem>> -> memref<96x128xf32, #tpu.memory_space<vmem>>
    %dma_start3A_405 = arith.constant 0 : i32
    %dma_start3A_406 = tpu.memref_slice %arg9[%dma_start3A_401, %dma_start3A_405] : memref<4x96xi32, #tpu.memory_space<vmem>> -> memref<1x96xi32, #tpu.memory_space<vmem>>
    %dma_start3A_407 = tpu.memref_squeeze %dma_start3A_406 : memref<1x96xi32, #tpu.memory_space<vmem>> -> memref<96xi32, #tpu.memory_space<vmem>>
    %dma_start3A_408 = arith.constant 0 : i32
    %dma_start3A_409 = arith.constant 0 : i32
    %dma_start3A_410 = tpu.memref_slice %arg10[%dma_start3A_408, %dma_start3A_409] : memref<128x128xf32, #tpu.memory_space<vmem_shared>> -> memref<128x128xf32, #tpu.memory_space<vmem_shared>>
    tpu.enqueue_indirect_dma source(%dma_start3A_404 : memref<96x128xf32, #tpu.memory_space<vmem>>) target(%dma_start3A_410 : memref<128x128xf32, #tpu.memory_space<vmem_shared>>) offsets(%dma_start3A_407 : memref<96xi32, #tpu.memory_space<vmem>>) semaphore(%arg16 : memref<!tpu.dma_semaphore, #tpu.memory_space<semaphore_mem>>) {add = true}
    %dma_start3A_411 = arith.constant 3 : i32
    %dma_start3A_412 = arith.constant 288 : i32
    %dma_start3A_413 = arith.constant 0 : i32
    %dma_start3A_414 = tpu.memref_slice %arg7[%dma_start3A_412, %dma_start3A_413] : memref<384x128xf32, #tpu.memory_space<vmem>> -> memref<96x128xf32, #tpu.memory_space<vmem>>
    %dma_start3A_415 = arith.constant 0 : i32
    %dma_start3A_416 = tpu.memref_slice %arg9[%dma_start3A_411, %dma_start3A_415] : memref<4x96xi32, #tpu.memory_space<vmem>> -> memref<1x96xi32, #tpu.memory_space<vmem>>
    %dma_start3A_417 = tpu.memref_squeeze %dma_start3A_416 : memref<1x96xi32, #tpu.memory_space<vmem>> -> memref<96xi32, #tpu.memory_space<vmem>>
    %dma_start3A_418 = arith.constant 0 : i32
    %dma_start3A_419 = arith.constant 0 : i32
    %dma_start3A_420 = tpu.memref_slice %arg10[%dma_start3A_418, %dma_start3A_419] : memref<128x128xf32, #tpu.memory_space<vmem_shared>> -> memref<128x128xf32, #tpu.memory_space<vmem_shared>>
    tpu.enqueue_indirect_dma source(%dma_start3A_414 : memref<96x128xf32, #tpu.memory_space<vmem>>) target(%dma_start3A_420 : memref<128x128xf32, #tpu.memory_space<vmem_shared>>) offsets(%dma_start3A_417 : memref<96xi32, #tpu.memory_space<vmem>>) semaphore(%arg16 : memref<!tpu.dma_semaphore, #tpu.memory_space<semaphore_mem>>) {add = true}
    %dma_wait3A_421 = arith.constant 0 : i32
    %dma_wait3A_422 = arith.constant 0 : i32
    %dma_wait3A_423 = arith.constant 0 : i32
    %dma_wait3A_424 = tpu.memref_slice %arg7[%dma_wait3A_422, %dma_wait3A_423] : memref<384x128xf32, #tpu.memory_space<vmem>> -> memref<96x128xf32, #tpu.memory_space<vmem>>
    %dma_wait3A_425 = arith.constant 0 : i32
    %dma_wait3A_426 = tpu.memref_slice %arg9[%dma_wait3A_421, %dma_wait3A_425] : memref<4x96xi32, #tpu.memory_space<vmem>> -> memref<1x96xi32, #tpu.memory_space<vmem>>
    %dma_wait3A_427 = tpu.memref_squeeze %dma_wait3A_426 : memref<1x96xi32, #tpu.memory_space<vmem>> -> memref<96xi32, #tpu.memory_space<vmem>>
    %dma_wait3A_428 = arith.constant 0 : i32
    %dma_wait3A_429 = arith.constant 0 : i32
    %dma_wait3A_430 = tpu.memref_slice %arg10[%dma_wait3A_428, %dma_wait3A_429] : memref<128x128xf32, #tpu.memory_space<vmem_shared>> -> memref<128x128xf32, #tpu.memory_space<vmem_shared>>
    tpu.wait_indirect_dma semaphore(%arg16 : memref<!tpu.dma_semaphore, #tpu.memory_space<semaphore_mem>>) src(%dma_wait3A_424 : memref<96x128xf32, #tpu.memory_space<vmem>>) dst(%dma_wait3A_430 : memref<128x128xf32, #tpu.memory_space<vmem_shared>>)
    %dma_wait3A_431 = arith.constant 1 : i32
    %dma_wait3A_432 = arith.constant 96 : i32
    %dma_wait3A_433 = arith.constant 0 : i32
    %dma_wait3A_434 = tpu.memref_slice %arg7[%dma_wait3A_432, %dma_wait3A_433] : memref<384x128xf32, #tpu.memory_space<vmem>> -> memref<96x128xf32, #tpu.memory_space<vmem>>
    %dma_wait3A_435 = arith.constant 0 : i32
    %dma_wait3A_436 = tpu.memref_slice %arg9[%dma_wait3A_431, %dma_wait3A_435] : memref<4x96xi32, #tpu.memory_space<vmem>> -> memref<1x96xi32, #tpu.memory_space<vmem>>
    %dma_wait3A_437 = tpu.memref_squeeze %dma_wait3A_436 : memref<1x96xi32, #tpu.memory_space<vmem>> -> memref<96xi32, #tpu.memory_space<vmem>>
    %dma_wait3A_438 = arith.constant 0 : i32
    %dma_wait3A_439 = arith.constant 0 : i32
    %dma_wait3A_440 = tpu.memref_slice %arg10[%dma_wait3A_438, %dma_wait3A_439] : memref<128x128xf32, #tpu.memory_space<vmem_shared>> -> memref<128x128xf32, #tpu.memory_space<vmem_shared>>
    tpu.wait_indirect_dma semaphore(%arg16 : memref<!tpu.dma_semaphore, #tpu.memory_space<semaphore_mem>>) src(%dma_wait3A_434 : memref<96x128xf32, #tpu.memory_space<vmem>>) dst(%dma_wait3A_440 : memref<128x128xf32, #tpu.memory_space<vmem_shared>>)
    %dma_wait3A_441 = arith.constant 2 : i32
    %dma_wait3A_442 = arith.constant 192 : i32
    %dma_wait3A_443 = arith.constant 0 : i32
    %dma_wait3A_444 = tpu.memref_slice %arg7[%dma_wait3A_442, %dma_wait3A_443] : memref<384x128xf32, #tpu.memory_space<vmem>> -> memref<96x128xf32, #tpu.memory_space<vmem>>
    %dma_wait3A_445 = arith.constant 0 : i32
    %dma_wait3A_446 = tpu.memref_slice %arg9[%dma_wait3A_441, %dma_wait3A_445] : memref<4x96xi32, #tpu.memory_space<vmem>> -> memref<1x96xi32, #tpu.memory_space<vmem>>
    %dma_wait3A_447 = tpu.memref_squeeze %dma_wait3A_446 : memref<1x96xi32, #tpu.memory_space<vmem>> -> memref<96xi32, #tpu.memory_space<vmem>>
    %dma_wait3A_448 = arith.constant 0 : i32
    %dma_wait3A_449 = arith.constant 0 : i32
    %dma_wait3A_450 = tpu.memref_slice %arg10[%dma_wait3A_448, %dma_wait3A_449] : memref<128x128xf32, #tpu.memory_space<vmem_shared>> -> memref<128x128xf32, #tpu.memory_space<vmem_shared>>
    tpu.wait_indirect_dma semaphore(%arg16 : memref<!tpu.dma_semaphore, #tpu.memory_space<semaphore_mem>>) src(%dma_wait3A_444 : memref<96x128xf32, #tpu.memory_space<vmem>>) dst(%dma_wait3A_450 : memref<128x128xf32, #tpu.memory_space<vmem_shared>>)
    %dma_wait3A_451 = arith.constant 3 : i32
    %dma_wait3A_452 = arith.constant 288 : i32
    %dma_wait3A_453 = arith.constant 0 : i32
    %dma_wait3A_454 = tpu.memref_slice %arg7[%dma_wait3A_452, %dma_wait3A_453] : memref<384x128xf32, #tpu.memory_space<vmem>> -> memref<96x128xf32, #tpu.memory_space<vmem>>
    %dma_wait3A_455 = arith.constant 0 : i32
    %dma_wait3A_456 = tpu.memref_slice %arg9[%dma_wait3A_451, %dma_wait3A_455] : memref<4x96xi32, #tpu.memory_space<vmem>> -> memref<1x96xi32, #tpu.memory_space<vmem>>
    %dma_wait3A_457 = tpu.memref_squeeze %dma_wait3A_456 : memref<1x96xi32, #tpu.memory_space<vmem>> -> memref<96xi32, #tpu.memory_space<vmem>>
    %dma_wait3A_458 = arith.constant 0 : i32
    %dma_wait3A_459 = arith.constant 0 : i32
    %dma_wait3A_460 = tpu.memref_slice %arg10[%dma_wait3A_458, %dma_wait3A_459] : memref<128x128xf32, #tpu.memory_space<vmem_shared>> -> memref<128x128xf32, #tpu.memory_space<vmem_shared>>
    tpu.wait_indirect_dma semaphore(%arg16 : memref<!tpu.dma_semaphore, #tpu.memory_space<semaphore_mem>>) src(%dma_wait3A_454 : memref<96x128xf32, #tpu.memory_space<vmem>>) dst(%dma_wait3A_460 : memref<128x128xf32, #tpu.memory_space<vmem_shared>>)
    %add3A_461 = arith.constant 96 : i32
    %add3A_462 = arith.addi %add3A_461, %add3A : i32
    %mul3A_463 = arith.constant 384 : i32
    %mul3A_464 = arith.muli %add3A_462, %mul3A_463 : i32
    %dma_start3A_465 = arith.constant 0 : i32
    %dma_start3A_466 = tpu.memref_slice %arg2[%mul3A_464, %dma_start3A_465] : memref<100000x128xf32, #tpu.memory_space<hbm>> -> memref<384x128xf32, #tpu.memory_space<hbm>>
    %dma_start3A_467 = arith.constant 0 : i32
    %dma_start3A_468 = tpu.memref_slice %arg2[%mul3A_464, %dma_start3A_467] : memref<100000x128xf32, #tpu.memory_space<hbm>> -> memref<384x128xf32, #tpu.memory_space<hbm>>
    tpu.enqueue_dma source(%dma_start3A_468 : memref<384x128xf32, #tpu.memory_space<hbm>>) target(%arg7 : memref<384x128xf32, #tpu.memory_space<vmem>>) target_semaphore(%arg12 : memref<!tpu.dma_semaphore, #tpu.memory_space<semaphore_mem>>)
    %mul3A_469 = arith.constant 384 : i32
    %mul3A_470 = arith.muli %add3A_462, %mul3A_469 : i32
    %add3A_471 = arith.constant 0 : i32
    %add3A_472 = arith.addi %mul3A_470, %add3A_471 : i32
    %dma_start3A_473 = arith.constant 0 : i32
    %dma_start3A_474 = arith.constant 0 : i32
    %dma_start3A_475 = tpu.memref_slice %arg9[%dma_start3A_473, %dma_start3A_474] : memref<4x96xi32, #tpu.memory_space<vmem>> -> memref<1x96xi32, #tpu.memory_space<vmem>>
    %dma_start3A_476 = tpu.memref_squeeze %dma_start3A_475 : memref<1x96xi32, #tpu.memory_space<vmem>> -> memref<96xi32, #tpu.memory_space<vmem>>
    %dma_start3A_477 = tpu.memref_slice %arg3[%add3A_472] : memref<100000xi32, #tpu.memory_space<hbm>> -> memref<96xi32, #tpu.memory_space<hbm>>
    %dma_start3A_478 = arith.constant 0 : i32
    %dma_start3A_479 = tpu.memref_slice %arg9[%dma_start3A_473, %dma_start3A_478] : memref<4x96xi32, #tpu.memory_space<vmem>> -> memref<1x96xi32, #tpu.memory_space<vmem>>
    %dma_start3A_480 = tpu.memref_squeeze %dma_start3A_479 : memref<1x96xi32, #tpu.memory_space<vmem>> -> memref<96xi32, #tpu.memory_space<vmem>>
    %dma_start3A_481 = tpu.memref_slice %arg3[%add3A_472] : memref<100000xi32, #tpu.memory_space<hbm>> -> memref<96xi32, #tpu.memory_space<hbm>>
    tpu.enqueue_dma source(%dma_start3A_481 : memref<96xi32, #tpu.memory_space<hbm>>) target(%dma_start3A_480 : memref<96xi32, #tpu.memory_space<vmem>>) target_semaphore(%arg14 : memref<!tpu.dma_semaphore, #tpu.memory_space<semaphore_mem>>)
    %mul3A_482 = arith.constant 384 : i32
    %mul3A_483 = arith.muli %add3A_462, %mul3A_482 : i32
    %add3A_484 = arith.constant 96 : i32
    %add3A_485 = arith.addi %mul3A_483, %add3A_484 : i32
    %dma_start3A_486 = arith.constant 1 : i32
    %dma_start3A_487 = arith.constant 0 : i32
    %dma_start3A_488 = tpu.memref_slice %arg9[%dma_start3A_486, %dma_start3A_487] : memref<4x96xi32, #tpu.memory_space<vmem>> -> memref<1x96xi32, #tpu.memory_space<vmem>>
    %dma_start3A_489 = tpu.memref_squeeze %dma_start3A_488 : memref<1x96xi32, #tpu.memory_space<vmem>> -> memref<96xi32, #tpu.memory_space<vmem>>
    %dma_start3A_490 = tpu.memref_slice %arg3[%add3A_485] : memref<100000xi32, #tpu.memory_space<hbm>> -> memref<96xi32, #tpu.memory_space<hbm>>
    %dma_start3A_491 = arith.constant 0 : i32
    %dma_start3A_492 = tpu.memref_slice %arg9[%dma_start3A_486, %dma_start3A_491] : memref<4x96xi32, #tpu.memory_space<vmem>> -> memref<1x96xi32, #tpu.memory_space<vmem>>
    %dma_start3A_493 = tpu.memref_squeeze %dma_start3A_492 : memref<1x96xi32, #tpu.memory_space<vmem>> -> memref<96xi32, #tpu.memory_space<vmem>>
    %dma_start3A_494 = tpu.memref_slice %arg3[%add3A_485] : memref<100000xi32, #tpu.memory_space<hbm>> -> memref<96xi32, #tpu.memory_space<hbm>>
    tpu.enqueue_dma source(%dma_start3A_494 : memref<96xi32, #tpu.memory_space<hbm>>) target(%dma_start3A_493 : memref<96xi32, #tpu.memory_space<vmem>>) target_semaphore(%arg14 : memref<!tpu.dma_semaphore, #tpu.memory_space<semaphore_mem>>)
    %mul3A_495 = arith.constant 384 : i32
    %mul3A_496 = arith.muli %add3A_462, %mul3A_495 : i32
    %add3A_497 = arith.constant 192 : i32
    %add3A_498 = arith.addi %mul3A_496, %add3A_497 : i32
    %dma_start3A_499 = arith.constant 2 : i32
    %dma_start3A_500 = arith.constant 0 : i32
    %dma_start3A_501 = tpu.memref_slice %arg9[%dma_start3A_499, %dma_start3A_500] : memref<4x96xi32, #tpu.memory_space<vmem>> -> memref<1x96xi32, #tpu.memory_space<vmem>>
    %dma_start3A_502 = tpu.memref_squeeze %dma_start3A_501 : memref<1x96xi32, #tpu.memory_space<vmem>> -> memref<96xi32, #tpu.memory_space<vmem>>
    %dma_start3A_503 = tpu.memref_slice %arg3[%add3A_498] : memref<100000xi32, #tpu.memory_space<hbm>> -> memref<96xi32, #tpu.memory_space<hbm>>
    %dma_start3A_504 = arith.constant 0 : i32
    %dma_start3A_505 = tpu.memref_slice %arg9[%dma_start3A_499, %dma_start3A_504] : memref<4x96xi32, #tpu.memory_space<vmem>> -> memref<1x96xi32, #tpu.memory_space<vmem>>
    %dma_start3A_506 = tpu.memref_squeeze %dma_start3A_505 : memref<1x96xi32, #tpu.memory_space<vmem>> -> memref<96xi32, #tpu.memory_space<vmem>>
    %dma_start3A_507 = tpu.memref_slice %arg3[%add3A_498] : memref<100000xi32, #tpu.memory_space<hbm>> -> memref<96xi32, #tpu.memory_space<hbm>>
    tpu.enqueue_dma source(%dma_start3A_507 : memref<96xi32, #tpu.memory_space<hbm>>) target(%dma_start3A_506 : memref<96xi32, #tpu.memory_space<vmem>>) target_semaphore(%arg14 : memref<!tpu.dma_semaphore, #tpu.memory_space<semaphore_mem>>)
    %mul3A_508 = arith.constant 384 : i32
    %mul3A_509 = arith.muli %add3A_462, %mul3A_508 : i32
    %add3A_510 = arith.constant 288 : i32
    %add3A_511 = arith.addi %mul3A_509, %add3A_510 : i32
    %dma_start3A_512 = arith.constant 3 : i32
    %dma_start3A_513 = arith.constant 0 : i32
    %dma_start3A_514 = tpu.memref_slice %arg9[%dma_start3A_512, %dma_start3A_513] : memref<4x96xi32, #tpu.memory_space<vmem>> -> memref<1x96xi32, #tpu.memory_space<vmem>>
    %dma_start3A_515 = tpu.memref_squeeze %dma_start3A_514 : memref<1x96xi32, #tpu.memory_space<vmem>> -> memref<96xi32, #tpu.memory_space<vmem>>
    %dma_start3A_516 = tpu.memref_slice %arg3[%add3A_511] : memref<100000xi32, #tpu.memory_space<hbm>> -> memref<96xi32, #tpu.memory_space<hbm>>
    %dma_start3A_517 = arith.constant 0 : i32
    %dma_start3A_518 = tpu.memref_slice %arg9[%dma_start3A_512, %dma_start3A_517] : memref<4x96xi32, #tpu.memory_space<vmem>> -> memref<1x96xi32, #tpu.memory_space<vmem>>
    %dma_start3A_519 = tpu.memref_squeeze %dma_start3A_518 : memref<1x96xi32, #tpu.memory_space<vmem>> -> memref<96xi32, #tpu.memory_space<vmem>>
    %dma_start3A_520 = tpu.memref_slice %arg3[%add3A_511] : memref<100000xi32, #tpu.memory_space<hbm>> -> memref<96xi32, #tpu.memory_space<hbm>>
    tpu.enqueue_dma source(%dma_start3A_520 : memref<96xi32, #tpu.memory_space<hbm>>) target(%dma_start3A_519 : memref<96xi32, #tpu.memory_space<vmem>>) target_semaphore(%arg14 : memref<!tpu.dma_semaphore, #tpu.memory_space<semaphore_mem>>)
    %add3A_521 = arith.constant 64 : i32
    %add3A_522 = arith.addi %add3A_521, %add3A : i32
    %mul3A_523 = arith.constant 384 : i32
    %mul3A_524 = arith.muli %add3A_522, %mul3A_523 : i32
    %dma_wait3A_525 = arith.constant 0 : i32
    %dma_wait3A_526 = tpu.memref_slice %arg2[%mul3A_524, %dma_wait3A_525] : memref<100000x128xf32, #tpu.memory_space<hbm>> -> memref<384x128xf32, #tpu.memory_space<hbm>>
    %dma_wait3A_527 = arith.constant 0 : i32
    %dma_wait3A_528 = tpu.memref_slice %arg2[%mul3A_524, %dma_wait3A_527] : memref<100000x128xf32, #tpu.memory_space<hbm>> -> memref<384x128xf32, #tpu.memory_space<hbm>>
    tpu.wait_dma2 semaphore(%arg11 : memref<!tpu.dma_semaphore, #tpu.memory_space<semaphore_mem>>) src(%dma_wait3A_528 : memref<384x128xf32, #tpu.memory_space<hbm>>) dst(%arg6 : memref<384x128xf32, #tpu.memory_space<vmem>>)
    %mul3A_529 = arith.constant 384 : i32
    %mul3A_530 = arith.muli %add3A_522, %mul3A_529 : i32
    %add3A_531 = arith.constant 0 : i32
    %add3A_532 = arith.addi %mul3A_530, %add3A_531 : i32
    %dma_wait3A_533 = arith.constant 0 : i32
    %dma_wait3A_534 = arith.constant 0 : i32
    %dma_wait3A_535 = tpu.memref_slice %arg8[%dma_wait3A_533, %dma_wait3A_534] : memref<4x96xi32, #tpu.memory_space<vmem>> -> memref<1x96xi32, #tpu.memory_space<vmem>>
    %dma_wait3A_536 = tpu.memref_squeeze %dma_wait3A_535 : memref<1x96xi32, #tpu.memory_space<vmem>> -> memref<96xi32, #tpu.memory_space<vmem>>
    %dma_wait3A_537 = tpu.memref_slice %arg3[%add3A_532] : memref<100000xi32, #tpu.memory_space<hbm>> -> memref<96xi32, #tpu.memory_space<hbm>>
    %dma_wait3A_538 = arith.constant 0 : i32
    %dma_wait3A_539 = tpu.memref_slice %arg8[%dma_wait3A_533, %dma_wait3A_538] : memref<4x96xi32, #tpu.memory_space<vmem>> -> memref<1x96xi32, #tpu.memory_space<vmem>>
    %dma_wait3A_540 = tpu.memref_squeeze %dma_wait3A_539 : memref<1x96xi32, #tpu.memory_space<vmem>> -> memref<96xi32, #tpu.memory_space<vmem>>
    %dma_wait3A_541 = tpu.memref_slice %arg3[%add3A_532] : memref<100000xi32, #tpu.memory_space<hbm>> -> memref<96xi32, #tpu.memory_space<hbm>>
    tpu.wait_dma2 semaphore(%arg13 : memref<!tpu.dma_semaphore, #tpu.memory_space<semaphore_mem>>) src(%dma_wait3A_541 : memref<96xi32, #tpu.memory_space<hbm>>) dst(%dma_wait3A_540 : memref<96xi32, #tpu.memory_space<vmem>>)
    %mul3A_542 = arith.constant 384 : i32
    %mul3A_543 = arith.muli %add3A_522, %mul3A_542 : i32
    %add3A_544 = arith.constant 96 : i32
    %add3A_545 = arith.addi %mul3A_543, %add3A_544 : i32
    %dma_wait3A_546 = arith.constant 1 : i32
    %dma_wait3A_547 = arith.constant 0 : i32
    %dma_wait3A_548 = tpu.memref_slice %arg8[%dma_wait3A_546, %dma_wait3A_547] : memref<4x96xi32, #tpu.memory_space<vmem>> -> memref<1x96xi32, #tpu.memory_space<vmem>>
    %dma_wait3A_549 = tpu.memref_squeeze %dma_wait3A_548 : memref<1x96xi32, #tpu.memory_space<vmem>> -> memref<96xi32, #tpu.memory_space<vmem>>
    %dma_wait3A_550 = tpu.memref_slice %arg3[%add3A_545] : memref<100000xi32, #tpu.memory_space<hbm>> -> memref<96xi32, #tpu.memory_space<hbm>>
    %dma_wait3A_551 = arith.constant 0 : i32
    %dma_wait3A_552 = tpu.memref_slice %arg8[%dma_wait3A_546, %dma_wait3A_551] : memref<4x96xi32, #tpu.memory_space<vmem>> -> memref<1x96xi32, #tpu.memory_space<vmem>>
    %dma_wait3A_553 = tpu.memref_squeeze %dma_wait3A_552 : memref<1x96xi32, #tpu.memory_space<vmem>> -> memref<96xi32, #tpu.memory_space<vmem>>
    %dma_wait3A_554 = tpu.memref_slice %arg3[%add3A_545] : memref<100000xi32, #tpu.memory_space<hbm>> -> memref<96xi32, #tpu.memory_space<hbm>>
    tpu.wait_dma2 semaphore(%arg13 : memref<!tpu.dma_semaphore, #tpu.memory_space<semaphore_mem>>) src(%dma_wait3A_554 : memref<96xi32, #tpu.memory_space<hbm>>) dst(%dma_wait3A_553 : memref<96xi32, #tpu.memory_space<vmem>>)
    %mul3A_555 = arith.constant 384 : i32
    %mul3A_556 = arith.muli %add3A_522, %mul3A_555 : i32
    %add3A_557 = arith.constant 192 : i32
    %add3A_558 = arith.addi %mul3A_556, %add3A_557 : i32
    %dma_wait3A_559 = arith.constant 2 : i32
    %dma_wait3A_560 = arith.constant 0 : i32
    %dma_wait3A_561 = tpu.memref_slice %arg8[%dma_wait3A_559, %dma_wait3A_560] : memref<4x96xi32, #tpu.memory_space<vmem>> -> memref<1x96xi32, #tpu.memory_space<vmem>>
    %dma_wait3A_562 = tpu.memref_squeeze %dma_wait3A_561 : memref<1x96xi32, #tpu.memory_space<vmem>> -> memref<96xi32, #tpu.memory_space<vmem>>
    %dma_wait3A_563 = tpu.memref_slice %arg3[%add3A_558] : memref<100000xi32, #tpu.memory_space<hbm>> -> memref<96xi32, #tpu.memory_space<hbm>>
    %dma_wait3A_564 = arith.constant 0 : i32
    %dma_wait3A_565 = tpu.memref_slice %arg8[%dma_wait3A_559, %dma_wait3A_564] : memref<4x96xi32, #tpu.memory_space<vmem>> -> memref<1x96xi32, #tpu.memory_space<vmem>>
    %dma_wait3A_566 = tpu.memref_squeeze %dma_wait3A_565 : memref<1x96xi32, #tpu.memory_space<vmem>> -> memref<96xi32, #tpu.memory_space<vmem>>
    %dma_wait3A_567 = tpu.memref_slice %arg3[%add3A_558] : memref<100000xi32, #tpu.memory_space<hbm>> -> memref<96xi32, #tpu.memory_space<hbm>>
    tpu.wait_dma2 semaphore(%arg13 : memref<!tpu.dma_semaphore, #tpu.memory_space<semaphore_mem>>) src(%dma_wait3A_567 : memref<96xi32, #tpu.memory_space<hbm>>) dst(%dma_wait3A_566 : memref<96xi32, #tpu.memory_space<vmem>>)
    %mul3A_568 = arith.constant 384 : i32
    %mul3A_569 = arith.muli %add3A_522, %mul3A_568 : i32
    %add3A_570 = arith.constant 288 : i32
    %add3A_571 = arith.addi %mul3A_569, %add3A_570 : i32
    %dma_wait3A_572 = arith.constant 3 : i32
    %dma_wait3A_573 = arith.constant 0 : i32
    %dma_wait3A_574 = tpu.memref_slice %arg8[%dma_wait3A_572, %dma_wait3A_573] : memref<4x96xi32, #tpu.memory_space<vmem>> -> memref<1x96xi32, #tpu.memory_space<vmem>>
    %dma_wait3A_575 = tpu.memref_squeeze %dma_wait3A_574 : memref<1x96xi32, #tpu.memory_space<vmem>> -> memref<96xi32, #tpu.memory_space<vmem>>
    %dma_wait3A_576 = tpu.memref_slice %arg3[%add3A_571] : memref<100000xi32, #tpu.memory_space<hbm>> -> memref<96xi32, #tpu.memory_space<hbm>>
    %dma_wait3A_577 = arith.constant 0 : i32
    %dma_wait3A_578 = tpu.memref_slice %arg8[%dma_wait3A_572, %dma_wait3A_577] : memref<4x96xi32, #tpu.memory_space<vmem>> -> memref<1x96xi32, #tpu.memory_space<vmem>>
    %dma_wait3A_579 = tpu.memref_squeeze %dma_wait3A_578 : memref<1x96xi32, #tpu.memory_space<vmem>> -> memref<96xi32, #tpu.memory_space<vmem>>
    %dma_wait3A_580 = tpu.memref_slice %arg3[%add3A_571] : memref<100000xi32, #tpu.memory_space<hbm>> -> memref<96xi32, #tpu.memory_space<hbm>>
    tpu.wait_dma2 semaphore(%arg13 : memref<!tpu.dma_semaphore, #tpu.memory_space<semaphore_mem>>) src(%dma_wait3A_580 : memref<96xi32, #tpu.memory_space<hbm>>) dst(%dma_wait3A_579 : memref<96xi32, #tpu.memory_space<vmem>>)
    %dma_start3A_581 = arith.constant 0 : i32
    %dma_start3A_582 = arith.constant 0 : i32
    %dma_start3A_583 = arith.constant 0 : i32
    %dma_start3A_584 = tpu.memref_slice %arg6[%dma_start3A_582, %dma_start3A_583] : memref<384x128xf32, #tpu.memory_space<vmem>> -> memref<96x128xf32, #tpu.memory_space<vmem>>
    %dma_start3A_585 = arith.constant 0 : i32
    %dma_start3A_586 = tpu.memref_slice %arg8[%dma_start3A_581, %dma_start3A_585] : memref<4x96xi32, #tpu.memory_space<vmem>> -> memref<1x96xi32, #tpu.memory_space<vmem>>
    %dma_start3A_587 = tpu.memref_squeeze %dma_start3A_586 : memref<1x96xi32, #tpu.memory_space<vmem>> -> memref<96xi32, #tpu.memory_space<vmem>>
    %dma_start3A_588 = arith.constant 0 : i32
    %dma_start3A_589 = arith.constant 0 : i32
    %dma_start3A_590 = tpu.memref_slice %arg10[%dma_start3A_588, %dma_start3A_589] : memref<128x128xf32, #tpu.memory_space<vmem_shared>> -> memref<128x128xf32, #tpu.memory_space<vmem_shared>>
    tpu.enqueue_indirect_dma source(%dma_start3A_584 : memref<96x128xf32, #tpu.memory_space<vmem>>) target(%dma_start3A_590 : memref<128x128xf32, #tpu.memory_space<vmem_shared>>) offsets(%dma_start3A_587 : memref<96xi32, #tpu.memory_space<vmem>>) semaphore(%arg15 : memref<!tpu.dma_semaphore, #tpu.memory_space<semaphore_mem>>) {add = true}
    %dma_start3A_591 = arith.constant 1 : i32
    %dma_start3A_592 = arith.constant 96 : i32
    %dma_start3A_593 = arith.constant 0 : i32
    %dma_start3A_594 = tpu.memref_slice %arg6[%dma_start3A_592, %dma_start3A_593] : memref<384x128xf32, #tpu.memory_space<vmem>> -> memref<96x128xf32, #tpu.memory_space<vmem>>
    %dma_start3A_595 = arith.constant 0 : i32
    %dma_start3A_596 = tpu.memref_slice %arg8[%dma_start3A_591, %dma_start3A_595] : memref<4x96xi32, #tpu.memory_space<vmem>> -> memref<1x96xi32, #tpu.memory_space<vmem>>
    %dma_start3A_597 = tpu.memref_squeeze %dma_start3A_596 : memref<1x96xi32, #tpu.memory_space<vmem>> -> memref<96xi32, #tpu.memory_space<vmem>>
    %dma_start3A_598 = arith.constant 0 : i32
    %dma_start3A_599 = arith.constant 0 : i32
    %dma_start3A_600 = tpu.memref_slice %arg10[%dma_start3A_598, %dma_start3A_599] : memref<128x128xf32, #tpu.memory_space<vmem_shared>> -> memref<128x128xf32, #tpu.memory_space<vmem_shared>>
    tpu.enqueue_indirect_dma source(%dma_start3A_594 : memref<96x128xf32, #tpu.memory_space<vmem>>) target(%dma_start3A_600 : memref<128x128xf32, #tpu.memory_space<vmem_shared>>) offsets(%dma_start3A_597 : memref<96xi32, #tpu.memory_space<vmem>>) semaphore(%arg15 : memref<!tpu.dma_semaphore, #tpu.memory_space<semaphore_mem>>) {add = true}
    %dma_start3A_601 = arith.constant 2 : i32
    %dma_start3A_602 = arith.constant 192 : i32
    %dma_start3A_603 = arith.constant 0 : i32
    %dma_start3A_604 = tpu.memref_slice %arg6[%dma_start3A_602, %dma_start3A_603] : memref<384x128xf32, #tpu.memory_space<vmem>> -> memref<96x128xf32, #tpu.memory_space<vmem>>
    %dma_start3A_605 = arith.constant 0 : i32
    %dma_start3A_606 = tpu.memref_slice %arg8[%dma_start3A_601, %dma_start3A_605] : memref<4x96xi32, #tpu.memory_space<vmem>> -> memref<1x96xi32, #tpu.memory_space<vmem>>
    %dma_start3A_607 = tpu.memref_squeeze %dma_start3A_606 : memref<1x96xi32, #tpu.memory_space<vmem>> -> memref<96xi32, #tpu.memory_space<vmem>>
    %dma_start3A_608 = arith.constant 0 : i32
    %dma_start3A_609 = arith.constant 0 : i32
    %dma_start3A_610 = tpu.memref_slice %arg10[%dma_start3A_608, %dma_start3A_609] : memref<128x128xf32, #tpu.memory_space<vmem_shared>> -> memref<128x128xf32, #tpu.memory_space<vmem_shared>>
    tpu.enqueue_indirect_dma source(%dma_start3A_604 : memref<96x128xf32, #tpu.memory_space<vmem>>) target(%dma_start3A_610 : memref<128x128xf32, #tpu.memory_space<vmem_shared>>) offsets(%dma_start3A_607 : memref<96xi32, #tpu.memory_space<vmem>>) semaphore(%arg15 : memref<!tpu.dma_semaphore, #tpu.memory_space<semaphore_mem>>) {add = true}
    %dma_start3A_611 = arith.constant 3 : i32
    %dma_start3A_612 = arith.constant 288 : i32
    %dma_start3A_613 = arith.constant 0 : i32
    %dma_start3A_614 = tpu.memref_slice %arg6[%dma_start3A_612, %dma_start3A_613] : memref<384x128xf32, #tpu.memory_space<vmem>> -> memref<96x128xf32, #tpu.memory_space<vmem>>
    %dma_start3A_615 = arith.constant 0 : i32
    %dma_start3A_616 = tpu.memref_slice %arg8[%dma_start3A_611, %dma_start3A_615] : memref<4x96xi32, #tpu.memory_space<vmem>> -> memref<1x96xi32, #tpu.memory_space<vmem>>
    %dma_start3A_617 = tpu.memref_squeeze %dma_start3A_616 : memref<1x96xi32, #tpu.memory_space<vmem>> -> memref<96xi32, #tpu.memory_space<vmem>>
    %dma_start3A_618 = arith.constant 0 : i32
    %dma_start3A_619 = arith.constant 0 : i32
    %dma_start3A_620 = tpu.memref_slice %arg10[%dma_start3A_618, %dma_start3A_619] : memref<128x128xf32, #tpu.memory_space<vmem_shared>> -> memref<128x128xf32, #tpu.memory_space<vmem_shared>>
    tpu.enqueue_indirect_dma source(%dma_start3A_614 : memref<96x128xf32, #tpu.memory_space<vmem>>) target(%dma_start3A_620 : memref<128x128xf32, #tpu.memory_space<vmem_shared>>) offsets(%dma_start3A_617 : memref<96xi32, #tpu.memory_space<vmem>>) semaphore(%arg15 : memref<!tpu.dma_semaphore, #tpu.memory_space<semaphore_mem>>) {add = true}
    %add3A_621 = arith.constant 96 : i32
    %add3A_622 = arith.addi %add3A_621, %add3A : i32
    %mul3A_623 = arith.constant 384 : i32
    %mul3A_624 = arith.muli %add3A_622, %mul3A_623 : i32
    %dma_wait3A_625 = arith.constant 0 : i32
    %dma_wait3A_626 = tpu.memref_slice %arg2[%mul3A_624, %dma_wait3A_625] : memref<100000x128xf32, #tpu.memory_space<hbm>> -> memref<384x128xf32, #tpu.memory_space<hbm>>
    %dma_wait3A_627 = arith.constant 0 : i32
    %dma_wait3A_628 = tpu.memref_slice %arg2[%mul3A_624, %dma_wait3A_627] : memref<100000x128xf32, #tpu.memory_space<hbm>> -> memref<384x128xf32, #tpu.memory_space<hbm>>
    tpu.wait_dma2 semaphore(%arg12 : memref<!tpu.dma_semaphore, #tpu.memory_space<semaphore_mem>>) src(%dma_wait3A_628 : memref<384x128xf32, #tpu.memory_space<hbm>>) dst(%arg7 : memref<384x128xf32, #tpu.memory_space<vmem>>)
    %mul3A_629 = arith.constant 384 : i32
    %mul3A_630 = arith.muli %add3A_622, %mul3A_629 : i32
    %add3A_631 = arith.constant 0 : i32
    %add3A_632 = arith.addi %mul3A_630, %add3A_631 : i32
    %dma_wait3A_633 = arith.constant 0 : i32
    %dma_wait3A_634 = arith.constant 0 : i32
    %dma_wait3A_635 = tpu.memref_slice %arg9[%dma_wait3A_633, %dma_wait3A_634] : memref<4x96xi32, #tpu.memory_space<vmem>> -> memref<1x96xi32, #tpu.memory_space<vmem>>
    %dma_wait3A_636 = tpu.memref_squeeze %dma_wait3A_635 : memref<1x96xi32, #tpu.memory_space<vmem>> -> memref<96xi32, #tpu.memory_space<vmem>>
    %dma_wait3A_637 = tpu.memref_slice %arg3[%add3A_632] : memref<100000xi32, #tpu.memory_space<hbm>> -> memref<96xi32, #tpu.memory_space<hbm>>
    %dma_wait3A_638 = arith.constant 0 : i32
    %dma_wait3A_639 = tpu.memref_slice %arg9[%dma_wait3A_633, %dma_wait3A_638] : memref<4x96xi32, #tpu.memory_space<vmem>> -> memref<1x96xi32, #tpu.memory_space<vmem>>
    %dma_wait3A_640 = tpu.memref_squeeze %dma_wait3A_639 : memref<1x96xi32, #tpu.memory_space<vmem>> -> memref<96xi32, #tpu.memory_space<vmem>>
    %dma_wait3A_641 = tpu.memref_slice %arg3[%add3A_632] : memref<100000xi32, #tpu.memory_space<hbm>> -> memref<96xi32, #tpu.memory_space<hbm>>
    tpu.wait_dma2 semaphore(%arg14 : memref<!tpu.dma_semaphore, #tpu.memory_space<semaphore_mem>>) src(%dma_wait3A_641 : memref<96xi32, #tpu.memory_space<hbm>>) dst(%dma_wait3A_640 : memref<96xi32, #tpu.memory_space<vmem>>)
    %mul3A_642 = arith.constant 384 : i32
    %mul3A_643 = arith.muli %add3A_622, %mul3A_642 : i32
    %add3A_644 = arith.constant 96 : i32
    %add3A_645 = arith.addi %mul3A_643, %add3A_644 : i32
    %dma_wait3A_646 = arith.constant 1 : i32
    %dma_wait3A_647 = arith.constant 0 : i32
    %dma_wait3A_648 = tpu.memref_slice %arg9[%dma_wait3A_646, %dma_wait3A_647] : memref<4x96xi32, #tpu.memory_space<vmem>> -> memref<1x96xi32, #tpu.memory_space<vmem>>
    %dma_wait3A_649 = tpu.memref_squeeze %dma_wait3A_648 : memref<1x96xi32, #tpu.memory_space<vmem>> -> memref<96xi32, #tpu.memory_space<vmem>>
    %dma_wait3A_650 = tpu.memref_slice %arg3[%add3A_645] : memref<100000xi32, #tpu.memory_space<hbm>> -> memref<96xi32, #tpu.memory_space<hbm>>
    %dma_wait3A_651 = arith.constant 0 : i32
    %dma_wait3A_652 = tpu.memref_slice %arg9[%dma_wait3A_646, %dma_wait3A_651] : memref<4x96xi32, #tpu.memory_space<vmem>> -> memref<1x96xi32, #tpu.memory_space<vmem>>
    %dma_wait3A_653 = tpu.memref_squeeze %dma_wait3A_652 : memref<1x96xi32, #tpu.memory_space<vmem>> -> memref<96xi32, #tpu.memory_space<vmem>>
    %dma_wait3A_654 = tpu.memref_slice %arg3[%add3A_645] : memref<100000xi32, #tpu.memory_space<hbm>> -> memref<96xi32, #tpu.memory_space<hbm>>
    tpu.wait_dma2 semaphore(%arg14 : memref<!tpu.dma_semaphore, #tpu.memory_space<semaphore_mem>>) src(%dma_wait3A_654 : memref<96xi32, #tpu.memory_space<hbm>>) dst(%dma_wait3A_653 : memref<96xi32, #tpu.memory_space<vmem>>)
    %mul3A_655 = arith.constant 384 : i32
    %mul3A_656 = arith.muli %add3A_622, %mul3A_655 : i32
    %add3A_657 = arith.constant 192 : i32
    %add3A_658 = arith.addi %mul3A_656, %add3A_657 : i32
    %dma_wait3A_659 = arith.constant 2 : i32
    %dma_wait3A_660 = arith.constant 0 : i32
    %dma_wait3A_661 = tpu.memref_slice %arg9[%dma_wait3A_659, %dma_wait3A_660] : memref<4x96xi32, #tpu.memory_space<vmem>> -> memref<1x96xi32, #tpu.memory_space<vmem>>
    %dma_wait3A_662 = tpu.memref_squeeze %dma_wait3A_661 : memref<1x96xi32, #tpu.memory_space<vmem>> -> memref<96xi32, #tpu.memory_space<vmem>>
    %dma_wait3A_663 = tpu.memref_slice %arg3[%add3A_658] : memref<100000xi32, #tpu.memory_space<hbm>> -> memref<96xi32, #tpu.memory_space<hbm>>
    %dma_wait3A_664 = arith.constant 0 : i32
    %dma_wait3A_665 = tpu.memref_slice %arg9[%dma_wait3A_659, %dma_wait3A_664] : memref<4x96xi32, #tpu.memory_space<vmem>> -> memref<1x96xi32, #tpu.memory_space<vmem>>
    %dma_wait3A_666 = tpu.memref_squeeze %dma_wait3A_665 : memref<1x96xi32, #tpu.memory_space<vmem>> -> memref<96xi32, #tpu.memory_space<vmem>>
    %dma_wait3A_667 = tpu.memref_slice %arg3[%add3A_658] : memref<100000xi32, #tpu.memory_space<hbm>> -> memref<96xi32, #tpu.memory_space<hbm>>
    tpu.wait_dma2 semaphore(%arg14 : memref<!tpu.dma_semaphore, #tpu.memory_space<semaphore_mem>>) src(%dma_wait3A_667 : memref<96xi32, #tpu.memory_space<hbm>>) dst(%dma_wait3A_666 : memref<96xi32, #tpu.memory_space<vmem>>)
    %mul3A_668 = arith.constant 384 : i32
    %mul3A_669 = arith.muli %add3A_622, %mul3A_668 : i32
    %add3A_670 = arith.constant 288 : i32
    %add3A_671 = arith.addi %mul3A_669, %add3A_670 : i32
    %dma_wait3A_672 = arith.constant 3 : i32
    %dma_wait3A_673 = arith.constant 0 : i32
    %dma_wait3A_674 = tpu.memref_slice %arg9[%dma_wait3A_672, %dma_wait3A_673] : memref<4x96xi32, #tpu.memory_space<vmem>> -> memref<1x96xi32, #tpu.memory_space<vmem>>
    %dma_wait3A_675 = tpu.memref_squeeze %dma_wait3A_674 : memref<1x96xi32, #tpu.memory_space<vmem>> -> memref<96xi32, #tpu.memory_space<vmem>>
    %dma_wait3A_676 = tpu.memref_slice %arg3[%add3A_671] : memref<100000xi32, #tpu.memory_space<hbm>> -> memref<96xi32, #tpu.memory_space<hbm>>
    %dma_wait3A_677 = arith.constant 0 : i32
    %dma_wait3A_678 = tpu.memref_slice %arg9[%dma_wait3A_672, %dma_wait3A_677] : memref<4x96xi32, #tpu.memory_space<vmem>> -> memref<1x96xi32, #tpu.memory_space<vmem>>
    %dma_wait3A_679 = tpu.memref_squeeze %dma_wait3A_678 : memref<1x96xi32, #tpu.memory_space<vmem>> -> memref<96xi32, #tpu.memory_space<vmem>>
    %dma_wait3A_680 = tpu.memref_slice %arg3[%add3A_671] : memref<100000xi32, #tpu.memory_space<hbm>> -> memref<96xi32, #tpu.memory_space<hbm>>
    tpu.wait_dma2 semaphore(%arg14 : memref<!tpu.dma_semaphore, #tpu.memory_space<semaphore_mem>>) src(%dma_wait3A_680 : memref<96xi32, #tpu.memory_space<hbm>>) dst(%dma_wait3A_679 : memref<96xi32, #tpu.memory_space<vmem>>)
    %dma_start3A_681 = arith.constant 0 : i32
    %dma_start3A_682 = arith.constant 0 : i32
    %dma_start3A_683 = arith.constant 0 : i32
    %dma_start3A_684 = tpu.memref_slice %arg7[%dma_start3A_682, %dma_start3A_683] : memref<384x128xf32, #tpu.memory_space<vmem>> -> memref<96x128xf32, #tpu.memory_space<vmem>>
    %dma_start3A_685 = arith.constant 0 : i32
    %dma_start3A_686 = tpu.memref_slice %arg9[%dma_start3A_681, %dma_start3A_685] : memref<4x96xi32, #tpu.memory_space<vmem>> -> memref<1x96xi32, #tpu.memory_space<vmem>>
    %dma_start3A_687 = tpu.memref_squeeze %dma_start3A_686 : memref<1x96xi32, #tpu.memory_space<vmem>> -> memref<96xi32, #tpu.memory_space<vmem>>
    %dma_start3A_688 = arith.constant 0 : i32
    %dma_start3A_689 = arith.constant 0 : i32
    %dma_start3A_690 = tpu.memref_slice %arg10[%dma_start3A_688, %dma_start3A_689] : memref<128x128xf32, #tpu.memory_space<vmem_shared>> -> memref<128x128xf32, #tpu.memory_space<vmem_shared>>
    tpu.enqueue_indirect_dma source(%dma_start3A_684 : memref<96x128xf32, #tpu.memory_space<vmem>>) target(%dma_start3A_690 : memref<128x128xf32, #tpu.memory_space<vmem_shared>>) offsets(%dma_start3A_687 : memref<96xi32, #tpu.memory_space<vmem>>) semaphore(%arg16 : memref<!tpu.dma_semaphore, #tpu.memory_space<semaphore_mem>>) {add = true}
    %dma_start3A_691 = arith.constant 1 : i32
    %dma_start3A_692 = arith.constant 96 : i32
    %dma_start3A_693 = arith.constant 0 : i32
    %dma_start3A_694 = tpu.memref_slice %arg7[%dma_start3A_692, %dma_start3A_693] : memref<384x128xf32, #tpu.memory_space<vmem>> -> memref<96x128xf32, #tpu.memory_space<vmem>>
    %dma_start3A_695 = arith.constant 0 : i32
    %dma_start3A_696 = tpu.memref_slice %arg9[%dma_start3A_691, %dma_start3A_695] : memref<4x96xi32, #tpu.memory_space<vmem>> -> memref<1x96xi32, #tpu.memory_space<vmem>>
    %dma_start3A_697 = tpu.memref_squeeze %dma_start3A_696 : memref<1x96xi32, #tpu.memory_space<vmem>> -> memref<96xi32, #tpu.memory_space<vmem>>
    %dma_start3A_698 = arith.constant 0 : i32
    %dma_start3A_699 = arith.constant 0 : i32
    %dma_start3A_700 = tpu.memref_slice %arg10[%dma_start3A_698, %dma_start3A_699] : memref<128x128xf32, #tpu.memory_space<vmem_shared>> -> memref<128x128xf32, #tpu.memory_space<vmem_shared>>
    tpu.enqueue_indirect_dma source(%dma_start3A_694 : memref<96x128xf32, #tpu.memory_space<vmem>>) target(%dma_start3A_700 : memref<128x128xf32, #tpu.memory_space<vmem_shared>>) offsets(%dma_start3A_697 : memref<96xi32, #tpu.memory_space<vmem>>) semaphore(%arg16 : memref<!tpu.dma_semaphore, #tpu.memory_space<semaphore_mem>>) {add = true}
    %dma_start3A_701 = arith.constant 2 : i32
    %dma_start3A_702 = arith.constant 192 : i32
    %dma_start3A_703 = arith.constant 0 : i32
    %dma_start3A_704 = tpu.memref_slice %arg7[%dma_start3A_702, %dma_start3A_703] : memref<384x128xf32, #tpu.memory_space<vmem>> -> memref<96x128xf32, #tpu.memory_space<vmem>>
    %dma_start3A_705 = arith.constant 0 : i32
    %dma_start3A_706 = tpu.memref_slice %arg9[%dma_start3A_701, %dma_start3A_705] : memref<4x96xi32, #tpu.memory_space<vmem>> -> memref<1x96xi32, #tpu.memory_space<vmem>>
    %dma_start3A_707 = tpu.memref_squeeze %dma_start3A_706 : memref<1x96xi32, #tpu.memory_space<vmem>> -> memref<96xi32, #tpu.memory_space<vmem>>
    %dma_start3A_708 = arith.constant 0 : i32
    %dma_start3A_709 = arith.constant 0 : i32
    %dma_start3A_710 = tpu.memref_slice %arg10[%dma_start3A_708, %dma_start3A_709] : memref<128x128xf32, #tpu.memory_space<vmem_shared>> -> memref<128x128xf32, #tpu.memory_space<vmem_shared>>
    tpu.enqueue_indirect_dma source(%dma_start3A_704 : memref<96x128xf32, #tpu.memory_space<vmem>>) target(%dma_start3A_710 : memref<128x128xf32, #tpu.memory_space<vmem_shared>>) offsets(%dma_start3A_707 : memref<96xi32, #tpu.memory_space<vmem>>) semaphore(%arg16 : memref<!tpu.dma_semaphore, #tpu.memory_space<semaphore_mem>>) {add = true}
    %dma_start3A_711 = arith.constant 3 : i32
    %dma_start3A_712 = arith.constant 288 : i32
    %dma_start3A_713 = arith.constant 0 : i32
    %dma_start3A_714 = tpu.memref_slice %arg7[%dma_start3A_712, %dma_start3A_713] : memref<384x128xf32, #tpu.memory_space<vmem>> -> memref<96x128xf32, #tpu.memory_space<vmem>>
    %dma_start3A_715 = arith.constant 0 : i32
    %dma_start3A_716 = tpu.memref_slice %arg9[%dma_start3A_711, %dma_start3A_715] : memref<4x96xi32, #tpu.memory_space<vmem>> -> memref<1x96xi32, #tpu.memory_space<vmem>>
    %dma_start3A_717 = tpu.memref_squeeze %dma_start3A_716 : memref<1x96xi32, #tpu.memory_space<vmem>> -> memref<96xi32, #tpu.memory_space<vmem>>
    %dma_start3A_718 = arith.constant 0 : i32
    %dma_start3A_719 = arith.constant 0 : i32
    %dma_start3A_720 = tpu.memref_slice %arg10[%dma_start3A_718, %dma_start3A_719] : memref<128x128xf32, #tpu.memory_space<vmem_shared>> -> memref<128x128xf32, #tpu.memory_space<vmem_shared>>
    tpu.enqueue_indirect_dma source(%dma_start3A_714 : memref<96x128xf32, #tpu.memory_space<vmem>>) target(%dma_start3A_720 : memref<128x128xf32, #tpu.memory_space<vmem_shared>>) offsets(%dma_start3A_717 : memref<96xi32, #tpu.memory_space<vmem>>) semaphore(%arg16 : memref<!tpu.dma_semaphore, #tpu.memory_space<semaphore_mem>>) {add = true}
    %dma_wait3A_721 = arith.constant 0 : i32
    %dma_wait3A_722 = arith.constant 0 : i32
    %dma_wait3A_723 = arith.constant 0 : i32
    %dma_wait3A_724 = tpu.memref_slice %arg6[%dma_wait3A_722, %dma_wait3A_723] : memref<384x128xf32, #tpu.memory_space<vmem>> -> memref<96x128xf32, #tpu.memory_space<vmem>>
    %dma_wait3A_725 = arith.constant 0 : i32
    %dma_wait3A_726 = tpu.memref_slice %arg8[%dma_wait3A_721, %dma_wait3A_725] : memref<4x96xi32, #tpu.memory_space<vmem>> -> memref<1x96xi32, #tpu.memory_space<vmem>>
    %dma_wait3A_727 = tpu.memref_squeeze %dma_wait3A_726 : memref<1x96xi32, #tpu.memory_space<vmem>> -> memref<96xi32, #tpu.memory_space<vmem>>
    %dma_wait3A_728 = arith.constant 0 : i32
    %dma_wait3A_729 = arith.constant 0 : i32
    %dma_wait3A_730 = tpu.memref_slice %arg10[%dma_wait3A_728, %dma_wait3A_729] : memref<128x128xf32, #tpu.memory_space<vmem_shared>> -> memref<128x128xf32, #tpu.memory_space<vmem_shared>>
    tpu.wait_indirect_dma semaphore(%arg15 : memref<!tpu.dma_semaphore, #tpu.memory_space<semaphore_mem>>) src(%dma_wait3A_724 : memref<96x128xf32, #tpu.memory_space<vmem>>) dst(%dma_wait3A_730 : memref<128x128xf32, #tpu.memory_space<vmem_shared>>)
    %dma_wait3A_731 = arith.constant 1 : i32
    %dma_wait3A_732 = arith.constant 96 : i32
    %dma_wait3A_733 = arith.constant 0 : i32
    %dma_wait3A_734 = tpu.memref_slice %arg6[%dma_wait3A_732, %dma_wait3A_733] : memref<384x128xf32, #tpu.memory_space<vmem>> -> memref<96x128xf32, #tpu.memory_space<vmem>>
    %dma_wait3A_735 = arith.constant 0 : i32
    %dma_wait3A_736 = tpu.memref_slice %arg8[%dma_wait3A_731, %dma_wait3A_735] : memref<4x96xi32, #tpu.memory_space<vmem>> -> memref<1x96xi32, #tpu.memory_space<vmem>>
    %dma_wait3A_737 = tpu.memref_squeeze %dma_wait3A_736 : memref<1x96xi32, #tpu.memory_space<vmem>> -> memref<96xi32, #tpu.memory_space<vmem>>
    %dma_wait3A_738 = arith.constant 0 : i32
    %dma_wait3A_739 = arith.constant 0 : i32
    %dma_wait3A_740 = tpu.memref_slice %arg10[%dma_wait3A_738, %dma_wait3A_739] : memref<128x128xf32, #tpu.memory_space<vmem_shared>> -> memref<128x128xf32, #tpu.memory_space<vmem_shared>>
    tpu.wait_indirect_dma semaphore(%arg15 : memref<!tpu.dma_semaphore, #tpu.memory_space<semaphore_mem>>) src(%dma_wait3A_734 : memref<96x128xf32, #tpu.memory_space<vmem>>) dst(%dma_wait3A_740 : memref<128x128xf32, #tpu.memory_space<vmem_shared>>)
    %dma_wait3A_741 = arith.constant 2 : i32
    %dma_wait3A_742 = arith.constant 192 : i32
    %dma_wait3A_743 = arith.constant 0 : i32
    %dma_wait3A_744 = tpu.memref_slice %arg6[%dma_wait3A_742, %dma_wait3A_743] : memref<384x128xf32, #tpu.memory_space<vmem>> -> memref<96x128xf32, #tpu.memory_space<vmem>>
    %dma_wait3A_745 = arith.constant 0 : i32
    %dma_wait3A_746 = tpu.memref_slice %arg8[%dma_wait3A_741, %dma_wait3A_745] : memref<4x96xi32, #tpu.memory_space<vmem>> -> memref<1x96xi32, #tpu.memory_space<vmem>>
    %dma_wait3A_747 = tpu.memref_squeeze %dma_wait3A_746 : memref<1x96xi32, #tpu.memory_space<vmem>> -> memref<96xi32, #tpu.memory_space<vmem>>
    %dma_wait3A_748 = arith.constant 0 : i32
    %dma_wait3A_749 = arith.constant 0 : i32
    %dma_wait3A_750 = tpu.memref_slice %arg10[%dma_wait3A_748, %dma_wait3A_749] : memref<128x128xf32, #tpu.memory_space<vmem_shared>> -> memref<128x128xf32, #tpu.memory_space<vmem_shared>>
    tpu.wait_indirect_dma semaphore(%arg15 : memref<!tpu.dma_semaphore, #tpu.memory_space<semaphore_mem>>) src(%dma_wait3A_744 : memref<96x128xf32, #tpu.memory_space<vmem>>) dst(%dma_wait3A_750 : memref<128x128xf32, #tpu.memory_space<vmem_shared>>)
    %dma_wait3A_751 = arith.constant 3 : i32
    %dma_wait3A_752 = arith.constant 288 : i32
    %dma_wait3A_753 = arith.constant 0 : i32
    %dma_wait3A_754 = tpu.memref_slice %arg6[%dma_wait3A_752, %dma_wait3A_753] : memref<384x128xf32, #tpu.memory_space<vmem>> -> memref<96x128xf32, #tpu.memory_space<vmem>>
    %dma_wait3A_755 = arith.constant 0 : i32
    %dma_wait3A_756 = tpu.memref_slice %arg8[%dma_wait3A_751, %dma_wait3A_755] : memref<4x96xi32, #tpu.memory_space<vmem>> -> memref<1x96xi32, #tpu.memory_space<vmem>>
    %dma_wait3A_757 = tpu.memref_squeeze %dma_wait3A_756 : memref<1x96xi32, #tpu.memory_space<vmem>> -> memref<96xi32, #tpu.memory_space<vmem>>
    %dma_wait3A_758 = arith.constant 0 : i32
    %dma_wait3A_759 = arith.constant 0 : i32
    %dma_wait3A_760 = tpu.memref_slice %arg10[%dma_wait3A_758, %dma_wait3A_759] : memref<128x128xf32, #tpu.memory_space<vmem_shared>> -> memref<128x128xf32, #tpu.memory_space<vmem_shared>>
    tpu.wait_indirect_dma semaphore(%arg15 : memref<!tpu.dma_semaphore, #tpu.memory_space<semaphore_mem>>) src(%dma_wait3A_754 : memref<96x128xf32, #tpu.memory_space<vmem>>) dst(%dma_wait3A_760 : memref<128x128xf32, #tpu.memory_space<vmem_shared>>)
    %dma_wait3A_761 = arith.constant 0 : i32
    %dma_wait3A_762 = arith.constant 0 : i32
    %dma_wait3A_763 = arith.constant 0 : i32
    %dma_wait3A_764 = tpu.memref_slice %arg7[%dma_wait3A_762, %dma_wait3A_763] : memref<384x128xf32, #tpu.memory_space<vmem>> -> memref<96x128xf32, #tpu.memory_space<vmem>>
    %dma_wait3A_765 = arith.constant 0 : i32
    %dma_wait3A_766 = tpu.memref_slice %arg9[%dma_wait3A_761, %dma_wait3A_765] : memref<4x96xi32, #tpu.memory_space<vmem>> -> memref<1x96xi32, #tpu.memory_space<vmem>>
    %dma_wait3A_767 = tpu.memref_squeeze %dma_wait3A_766 : memref<1x96xi32, #tpu.memory_space<vmem>> -> memref<96xi32, #tpu.memory_space<vmem>>
    %dma_wait3A_768 = arith.constant 0 : i32
    %dma_wait3A_769 = arith.constant 0 : i32
    %dma_wait3A_770 = tpu.memref_slice %arg10[%dma_wait3A_768, %dma_wait3A_769] : memref<128x128xf32, #tpu.memory_space<vmem_shared>> -> memref<128x128xf32, #tpu.memory_space<vmem_shared>>
    tpu.wait_indirect_dma semaphore(%arg16 : memref<!tpu.dma_semaphore, #tpu.memory_space<semaphore_mem>>) src(%dma_wait3A_764 : memref<96x128xf32, #tpu.memory_space<vmem>>) dst(%dma_wait3A_770 : memref<128x128xf32, #tpu.memory_space<vmem_shared>>)
    %dma_wait3A_771 = arith.constant 1 : i32
    %dma_wait3A_772 = arith.constant 96 : i32
    %dma_wait3A_773 = arith.constant 0 : i32
    %dma_wait3A_774 = tpu.memref_slice %arg7[%dma_wait3A_772, %dma_wait3A_773] : memref<384x128xf32, #tpu.memory_space<vmem>> -> memref<96x128xf32, #tpu.memory_space<vmem>>
    %dma_wait3A_775 = arith.constant 0 : i32
    %dma_wait3A_776 = tpu.memref_slice %arg9[%dma_wait3A_771, %dma_wait3A_775] : memref<4x96xi32, #tpu.memory_space<vmem>> -> memref<1x96xi32, #tpu.memory_space<vmem>>
    %dma_wait3A_777 = tpu.memref_squeeze %dma_wait3A_776 : memref<1x96xi32, #tpu.memory_space<vmem>> -> memref<96xi32, #tpu.memory_space<vmem>>
    %dma_wait3A_778 = arith.constant 0 : i32
    %dma_wait3A_779 = arith.constant 0 : i32
    %dma_wait3A_780 = tpu.memref_slice %arg10[%dma_wait3A_778, %dma_wait3A_779] : memref<128x128xf32, #tpu.memory_space<vmem_shared>> -> memref<128x128xf32, #tpu.memory_space<vmem_shared>>
    tpu.wait_indirect_dma semaphore(%arg16 : memref<!tpu.dma_semaphore, #tpu.memory_space<semaphore_mem>>) src(%dma_wait3A_774 : memref<96x128xf32, #tpu.memory_space<vmem>>) dst(%dma_wait3A_780 : memref<128x128xf32, #tpu.memory_space<vmem_shared>>)
    %dma_wait3A_781 = arith.constant 2 : i32
    %dma_wait3A_782 = arith.constant 192 : i32
    %dma_wait3A_783 = arith.constant 0 : i32
    %dma_wait3A_784 = tpu.memref_slice %arg7[%dma_wait3A_782, %dma_wait3A_783] : memref<384x128xf32, #tpu.memory_space<vmem>> -> memref<96x128xf32, #tpu.memory_space<vmem>>
    %dma_wait3A_785 = arith.constant 0 : i32
    %dma_wait3A_786 = tpu.memref_slice %arg9[%dma_wait3A_781, %dma_wait3A_785] : memref<4x96xi32, #tpu.memory_space<vmem>> -> memref<1x96xi32, #tpu.memory_space<vmem>>
    %dma_wait3A_787 = tpu.memref_squeeze %dma_wait3A_786 : memref<1x96xi32, #tpu.memory_space<vmem>> -> memref<96xi32, #tpu.memory_space<vmem>>
    %dma_wait3A_788 = arith.constant 0 : i32
    %dma_wait3A_789 = arith.constant 0 : i32
    %dma_wait3A_790 = tpu.memref_slice %arg10[%dma_wait3A_788, %dma_wait3A_789] : memref<128x128xf32, #tpu.memory_space<vmem_shared>> -> memref<128x128xf32, #tpu.memory_space<vmem_shared>>
    tpu.wait_indirect_dma semaphore(%arg16 : memref<!tpu.dma_semaphore, #tpu.memory_space<semaphore_mem>>) src(%dma_wait3A_784 : memref<96x128xf32, #tpu.memory_space<vmem>>) dst(%dma_wait3A_790 : memref<128x128xf32, #tpu.memory_space<vmem_shared>>)
    %dma_wait3A_791 = arith.constant 3 : i32
    %dma_wait3A_792 = arith.constant 288 : i32
    %dma_wait3A_793 = arith.constant 0 : i32
    %dma_wait3A_794 = tpu.memref_slice %arg7[%dma_wait3A_792, %dma_wait3A_793] : memref<384x128xf32, #tpu.memory_space<vmem>> -> memref<96x128xf32, #tpu.memory_space<vmem>>
    %dma_wait3A_795 = arith.constant 0 : i32
    %dma_wait3A_796 = tpu.memref_slice %arg9[%dma_wait3A_791, %dma_wait3A_795] : memref<4x96xi32, #tpu.memory_space<vmem>> -> memref<1x96xi32, #tpu.memory_space<vmem>>
    %dma_wait3A_797 = tpu.memref_squeeze %dma_wait3A_796 : memref<1x96xi32, #tpu.memory_space<vmem>> -> memref<96xi32, #tpu.memory_space<vmem>>
    %dma_wait3A_798 = arith.constant 0 : i32
    %dma_wait3A_799 = arith.constant 0 : i32
    %dma_wait3A_800 = tpu.memref_slice %arg10[%dma_wait3A_798, %dma_wait3A_799] : memref<128x128xf32, #tpu.memory_space<vmem_shared>> -> memref<128x128xf32, #tpu.memory_space<vmem_shared>>
    tpu.wait_indirect_dma semaphore(%arg16 : memref<!tpu.dma_semaphore, #tpu.memory_space<semaphore_mem>>) src(%dma_wait3A_794 : memref<96x128xf32, #tpu.memory_space<vmem>>) dst(%dma_wait3A_800 : memref<128x128xf32, #tpu.memory_space<vmem_shared>>)
    %barrier3A_801 = arith.constant 0 : index
    tpu.barrier barrier_id(%barrier3A_801)
    %eq3A_802 = arith.constant 0 : i32
    %eq3A_803 = arith.cmpi eq, %arg1, %eq3A_802 : i32
    %convert_element_type3A_804 = arith.extui %eq3A_803 : i1 to i32
    %cond3A_805 = arith.constant 0 : i32
    %cond3A_806 = arith.cmpi ne, %convert_element_type3A_804, %cond3A_805 : i32
    scf.if %cond3A_806 {
      "tpu.region"() ({
        %run_scoped3A = tpu.sem_alloc : memref<!tpu.dma_semaphore, #tpu.memory_space<semaphore_mem>>
        %dma_start3A_807 = arith.constant 0 : i32
        %dma_start3A_808 = arith.constant 0 : i32
        %dma_start3A_809 = tpu.memref_slice %arg5[%arg0, %dma_start3A_807, %dma_start3A_808] : memref<2x128x128xf32, #tpu.memory_space<hbm>> -> memref<1x128x128xf32, #tpu.memory_space<hbm>>
        %dma_start3A_810 = tpu.memref_squeeze %dma_start3A_809 : memref<1x128x128xf32, #tpu.memory_space<hbm>> -> memref<128x128xf32, #tpu.memory_space<hbm>>
        tpu.enqueue_dma source(%arg10 : memref<128x128xf32, #tpu.memory_space<vmem_shared>>) target(%dma_start3A_810 : memref<128x128xf32, #tpu.memory_space<hbm>>) target_semaphore(%run_scoped3A : memref<!tpu.dma_semaphore, #tpu.memory_space<semaphore_mem>>)
        %dma_wait3A_811 = arith.constant 0 : i32
        %dma_wait3A_812 = arith.constant 0 : i32
        %dma_wait3A_813 = tpu.memref_slice %arg5[%arg0, %dma_wait3A_811, %dma_wait3A_812] : memref<2x128x128xf32, #tpu.memory_space<hbm>> -> memref<1x128x128xf32, #tpu.memory_space<hbm>>
        %dma_wait3A_814 = tpu.memref_squeeze %dma_wait3A_813 : memref<1x128x128xf32, #tpu.memory_space<hbm>> -> memref<128x128xf32, #tpu.memory_space<hbm>>
        tpu.wait_dma2 semaphore(%run_scoped3A : memref<!tpu.dma_semaphore, #tpu.memory_space<semaphore_mem>>) src(%arg10 : memref<128x128xf32, #tpu.memory_space<vmem_shared>>) dst(%dma_wait3A_814 : memref<128x128xf32, #tpu.memory_space<hbm>>)
        tpu.yield
      }) : () -> ()
    } else {
    }
    return
  }
}

module attributes {stable_mosaic.version = 14 : i64} {
  func.func @_tcseg_body(%arg0: i32, %arg1: memref<12288x128xf32, #tpu.memory_space<vmem>>, %arg2: memref<1x1x12288xi32, #tpu.memory_space<vmem>>, %arg3: memref<128x128xf32, #tpu.memory_space<vmem>>, %arg4: memref<128x8xf32, #tpu.memory_space<vmem>>) attributes {dimension_semantics = [#tpu.dimension_semantics<arbitrary>], iteration_bounds = array<i64: 9>, scalar_prefetch = 0 : i64, scratch_operands = 0 : i64, tpu.core_type = #tpu.core_type<tc>, window_params = [{transform_indices = @transform_0, window_bounds = array<i64: 12288, 128>}, {transform_indices = @transform_1, window_bounds = array<i64: 1, 1, 12288>}, {pipeline_mode = #tpu.pipeline_mode<synchronous>, transform_indices = @transform_2, window_bounds = array<i64: 128, 128>}, {pipeline_mode = #tpu.pipeline_mode<synchronous>, transform_indices = @transform_3, window_bounds = array<i64: 128, 8>}]} {
    %eq3A = arith.constant 0 : i32
    %eq3A_0 = arith.cmpi eq, %arg0, %eq3A : i32
    %convert_element_type3A = arith.extui %eq3A_0 : i1 to i32
    %cond3A = arith.constant 0 : i32
    %cond3A_1 = arith.cmpi ne, %convert_element_type3A, %cond3A : i32
    scf.if %cond3A_1 {
      %broadcast_in_dim3A_23 = arith.constant 0.000000e+00 : f32
      %broadcast_in_dim3A_24 = vector.broadcast %broadcast_in_dim3A_23 : f32 to vector<128x128xf32>
      %swap3A_25 = arith.constant 0 : index
      %swap3A_26 = arith.constant 0 : index
      %swap3A_27 = vector.load %arg3[%swap3A_25, %swap3A_26] : memref<128x128xf32, #tpu.memory_space<vmem>>, vector<128x128xf32>
      tpu.vector_store %arg3[%swap3A_25, %swap3A_26], %broadcast_in_dim3A_24 {strides = array<i32>} : memref<128x128xf32, #tpu.memory_space<vmem>>, vector<128x128xf32>,
      %broadcast_in_dim3A_28 = arith.constant 0.000000e+00 : f32
      %broadcast_in_dim3A_29 = vector.broadcast %broadcast_in_dim3A_28 : f32 to vector<128x8xf32>
      %swap3A_30 = arith.constant 0 : index
      %swap3A_31 = arith.constant 0 : index
      %swap3A_32 = vector.load %arg4[%swap3A_30, %swap3A_31] : memref<128x8xf32, #tpu.memory_space<vmem>>, vector<128x8xf32>
      tpu.vector_store %arg4[%swap3A_30, %swap3A_31], %broadcast_in_dim3A_29 {strides = array<i32>} : memref<128x8xf32, #tpu.memory_space<vmem>>, vector<128x8xf32>,
    } else {
    }
    %get3A = arith.constant 0 : index
    %get3A_2 = arith.constant 0 : index
    %get3A_3 = arith.constant 0 : index
    %get3A_4 = vector.load %arg2[%get3A, %get3A_2, %get3A_3] : memref<1x1x12288xi32, #tpu.memory_space<vmem>>, vector<1x1x12288xi32>
    %get3A_5 = vector.shape_cast %get3A_4 : vector<1x1x12288xi32> to vector<12288xi32>
    %iota3A = tpu.iota {dimensions = array<i32: 0>} : vector<128x12288xi32>
    %broadcast_in_dim3A = vector.shape_cast %get3A_5 : vector<12288xi32> to vector<1x12288xi32>
    %eq3A_6 = vector.broadcast %broadcast_in_dim3A : vector<1x12288xi32> to vector<128x12288xi32>
    %eq3A_7 = arith.cmpi eq, %iota3A, %eq3A_6 : vector<128x12288xi32>
    %convert_element_type3A_8 = arith.extui %eq3A_7 : vector<128x12288xi1> to vector<128x12288xi32>
    %convert_element_type3A_9 = arith.sitofp %convert_element_type3A_8 : vector<128x12288xi32> to vector<128x12288xf32>
    %convert_element_type3A_10 = arith.truncf %convert_element_type3A_9 : vector<128x12288xf32> to vector<128x12288xbf16>
    %broadcast_in_dim3A_11 = arith.constant 1.000000e+00 : bf16
    %broadcast_in_dim3A_12 = vector.broadcast %broadcast_in_dim3A_11 : bf16 to vector<12288x8xbf16>
    %get3A_13 = arith.constant 0 : index
    %get3A_14 = arith.constant 0 : index
    %get3A_15 = vector.load %arg4[%get3A_13, %get3A_14] : memref<128x8xf32, #tpu.memory_space<vmem>>, vector<128x8xf32>
    %dot_general3A = arith.constant dense<0.000000e+00> : vector<128x8xf32>
    %dot_general3A_16 = tpu.matmul %convert_element_type3A_10, %broadcast_in_dim3A_12, %dot_general3A {dimension_numbers = #tpu.dot_dimension_numbers<[1], [0], [0], [1], [0, 0, 1, 1], [], []>, transpose_lhs_hint = false} : vector<128x12288xbf16>, vector<12288x8xbf16>, vector<128x8xf32> -> vector<128x8xf32>
    %add3A = arith.addf %get3A_15, %dot_general3A_16 : vector<128x8xf32>
    %swap3A = arith.constant 0 : index
    %swap3A_17 = arith.constant 0 : index
    %swap3A_18 = vector.load %arg4[%swap3A, %swap3A_17] : memref<128x8xf32, #tpu.memory_space<vmem>>, vector<128x8xf32>
    tpu.vector_store %arg4[%swap3A, %swap3A_17], %add3A {strides = array<i32>} : memref<128x8xf32, #tpu.memory_space<vmem>>, vector<128x8xf32>,
    %ge3A = arith.constant 4 : i32
    %ge3A_19 = arith.cmpi sge, %arg0, %ge3A : i32
    %convert_element_type3A_20 = arith.extui %ge3A_19 : i1 to i32
    %cond3A_21 = arith.constant 0 : i32
    %cond3A_22 = arith.cmpi ne, %convert_element_type3A_20, %cond3A_21 : i32
    scf.if %cond3A_22 {
      %mul3A = arith.constant 12288 : i32
      %mul3A_23 = arith.muli %arg0, %mul3A : i32
      %iota3A_24 = tpu.iota {dimensions = array<i32: 1>} : vector<1x12288xi32>
      %iota3A_25 = vector.shape_cast %iota3A_24 : vector<1x12288xi32> to vector<12288xi32>
      %add3A_26 = vector.broadcast %mul3A_23 : i32 to vector<12288xi32>
      %add3A_27 = arith.addi %add3A_26, %iota3A_25 : vector<12288xi32>
      %ge3A_28 = arith.constant 49152 : i32
      %ge3A_29 = vector.broadcast %ge3A_28 : i32 to vector<12288xi32>
      %ge3A_30 = arith.cmpi sge, %add3A_27, %ge3A_29 : vector<12288xi32>
      %jit3A = arith.constant -1 : i32
      %broadcast_in_dim3A_31 = vector.broadcast %jit3A : i32 to vector<12288xi32>
      %select_n3A = arith.select %ge3A_30, %get3A_5, %broadcast_in_dim3A_31 : vector<12288xi1>, vector<12288xi32>
      %iota3A_32 = tpu.iota {dimensions = array<i32: 0>} : vector<128x12288xi32>
      %broadcast_in_dim3A_33 = vector.shape_cast %select_n3A : vector<12288xi32> to vector<1x12288xi32>
      %eq3A_34 = vector.broadcast %broadcast_in_dim3A_33 : vector<1x12288xi32> to vector<128x12288xi32>
      %eq3A_35 = arith.cmpi eq, %iota3A_32, %eq3A_34 : vector<128x12288xi32>
      %convert_element_type3A_36 = arith.extui %eq3A_35 : vector<128x12288xi1> to vector<128x12288xi32>
      %convert_element_type3A_37 = arith.sitofp %convert_element_type3A_36 : vector<128x12288xi32> to vector<128x12288xf32>
      %convert_element_type3A_38 = arith.truncf %convert_element_type3A_37 : vector<128x12288xf32> to vector<128x12288xbf16>
      %mul3A_39 = arith.constant 12288 : i32
      %mul3A_40 = arith.muli %arg0, %mul3A_39 : i32
      %iota3A_41 = tpu.iota {dimensions = array<i32: 0>} : vector<12288x1xi32>
      %add3A_42 = vector.broadcast %mul3A_40 : i32 to vector<12288x1xi32>
      %add3A_43 = arith.addi %add3A_42, %iota3A_41 : vector<12288x1xi32>
      %lt3A = arith.constant 100000 : i32
      %lt3A_44 = vector.broadcast %lt3A : i32 to vector<12288x1xi32>
      %lt3A_45 = arith.cmpi slt, %add3A_43, %lt3A_44 : vector<12288x1xi32>
      %get3A_46 = arith.constant 0 : index
      %get3A_47 = arith.constant 0 : index
      %get3A_48 = vector.load %arg1[%get3A_46, %get3A_47] : memref<12288x128xf32, #tpu.memory_space<vmem>>, vector<12288x128xf32>
      %jit3A_49 = arith.constant 0.000000e+00 : f32
      %broadcast_in_dim3A_50 = vector.shape_cast %lt3A_45 : vector<12288x1xi1> to vector<12288x1xi1>
      %broadcast_in_dim3A_51 = vector.broadcast %broadcast_in_dim3A_50 : vector<12288x1xi1> to vector<12288x128xi1>
      %broadcast_in_dim3A_52 = vector.broadcast %jit3A_49 : f32 to vector<12288x128xf32>
      %select_n3A_53 = arith.select %broadcast_in_dim3A_51, %get3A_48, %broadcast_in_dim3A_52 : vector<12288x128xi1>, vector<12288x128xf32>
      %convert_element_type3A_54 = arith.truncf %select_n3A_53 : vector<12288x128xf32> to vector<12288x128xbf16>
      %get3A_55 = arith.constant 0 : index
      %get3A_56 = arith.constant 0 : index
      %get3A_57 = vector.load %arg3[%get3A_55, %get3A_56] : memref<128x128xf32, #tpu.memory_space<vmem>>, vector<128x128xf32>
      %dot_general3A_58 = arith.constant dense<0.000000e+00> : vector<128x128xf32>
      %dot_general3A_59 = tpu.matmul %convert_element_type3A_38, %convert_element_type3A_54, %dot_general3A_58 {dimension_numbers = #tpu.dot_dimension_numbers<[1], [0], [0], [1], [0, 0, 1, 1], [], []>, transpose_lhs_hint = false} : vector<128x12288xbf16>, vector<12288x128xbf16>, vector<128x128xf32> -> vector<128x128xf32>
      %add3A_60 = arith.addf %get3A_57, %dot_general3A_59 : vector<128x128xf32>
      %swap3A_61 = arith.constant 0 : index
      %swap3A_62 = arith.constant 0 : index
      %swap3A_63 = vector.load %arg3[%swap3A_61, %swap3A_62] : memref<128x128xf32, #tpu.memory_space<vmem>>, vector<128x128xf32>
      tpu.vector_store %arg3[%swap3A_61, %swap3A_62], %add3A_60 {strides = array<i32>} : memref<128x128xf32, #tpu.memory_space<vmem>>, vector<128x128xf32>,
    } else {
    }
    return
  }
  func.func @transform_0(%arg0: i32) -> (i32, i32) {
    %max3A = arith.constant 4 : i32
    %max3A_0 = arith.maxsi %arg0, %max3A : i32
    %c0_i32 = arith.constant 0 : i32
    %c0_i32_1 = arith.constant 0 : i32
    return %max3A_0, %c0_i32 : i32, i32
  }
  func.func @transform_1(%arg0: i32) -> (i32, i32, i32) {
    %c0_i32 = arith.constant 0 : i32
    %c0_i32_0 = arith.constant 0 : i32
    %c0_i32_1 = arith.constant 0 : i32
    return %arg0, %c0_i32, %c0_i32_0 : i32, i32, i32
  }
  func.func @transform_2(%arg0: i32) -> (i32, i32) {
    %c0_i32 = arith.constant 0 : i32
    %c0_i32_0 = arith.constant 0 : i32
    %c0_i32_1 = arith.constant 0 : i32
    return %c0_i32, %c0_i32_0 : i32, i32
  }
  func.func @transform_3(%arg0: i32) -> (i32, i32) {
    %c0_i32 = arith.constant 0 : i32
    %c0_i32_0 = arith.constant 0 : i32
    %c0_i32_1 = arith.constant 0 : i32
    return %c0_i32, %c0_i32_0 : i32, i32
  }
}

module attributes {stable_mosaic.version = 14 : i64} {
  func.func @_dist_body(%arg0: i32, %arg1: memref<2x128x128xf32, #tpu.memory_space<vmem>>, %arg2: memref<128x128xf32, #tpu.memory_space<vmem>>, %arg3: memref<128x8xf32, #tpu.memory_space<vmem>>, %arg4: memref<4096x128xf32, #tpu.memory_space<vmem>>, %arg5: memref<1x1x4096xi32, #tpu.memory_space<vmem>>, %arg6: memref<1x1xf32, #tpu.memory_space<vmem>>, %arg7: memref<128x128xbf16, #tpu.memory_space<vmem>>) attributes {dimension_semantics = [#tpu.dimension_semantics<arbitrary>], iteration_bounds = array<i64: 4>, scalar_prefetch = 0 : i64, scratch_operands = 1 : i64, tpu.core_type = #tpu.core_type<tc>, window_params = [{pipeline_mode = #tpu.pipeline_mode<synchronous>, transform_indices = @transform_0, window_bounds = array<i64: 2, 128, 128>}, {pipeline_mode = #tpu.pipeline_mode<synchronous>, transform_indices = @transform_1, window_bounds = array<i64: 128, 128>}, {pipeline_mode = #tpu.pipeline_mode<synchronous>, transform_indices = @transform_2, window_bounds = array<i64: 128, 8>}, {transform_indices = @transform_3, window_bounds = array<i64: 4096, 128>}, {transform_indices = @transform_4, window_bounds = array<i64: 1, 1, 4096>}, {pipeline_mode = #tpu.pipeline_mode<synchronous>, transform_indices = @transform_5, window_bounds = array<i64: 1, 1>}]} {
    %eq3A = arith.constant 0 : i32
    %eq3A_0 = arith.cmpi eq, %arg0, %eq3A : i32
    %convert_element_type3A = arith.extui %eq3A_0 : i1 to i32
    %cond3A = arith.constant 0 : i32
    %cond3A_1 = arith.cmpi ne, %convert_element_type3A, %cond3A : i32
    scf.if %cond3A_1 {
      %get3A_59 = arith.constant 0 : index
      %get3A_60 = arith.constant 0 : index
      %get3A_61 = arith.constant 0 : index
      %get3A_62 = vector.load %arg1[%get3A_59, %get3A_60, %get3A_61] : memref<2x128x128xf32, #tpu.memory_space<vmem>>, vector<1x128x128xf32>
      %get3A_63 = vector.shape_cast %get3A_62 : vector<1x128x128xf32> to vector<128x128xf32>
      %get3A_64 = arith.constant 1 : index
      %get3A_65 = arith.constant 0 : index
      %get3A_66 = arith.constant 0 : index
      %get3A_67 = vector.load %arg1[%get3A_64, %get3A_65, %get3A_66] : memref<2x128x128xf32, #tpu.memory_space<vmem>>, vector<1x128x128xf32>
      %get3A_68 = vector.shape_cast %get3A_67 : vector<1x128x128xf32> to vector<128x128xf32>
      %add3A_69 = arith.addf %get3A_63, %get3A_68 : vector<128x128xf32>
      %get3A_70 = arith.constant 0 : index
      %get3A_71 = arith.constant 0 : index
      %get3A_72 = vector.load %arg2[%get3A_70, %get3A_71] : memref<128x128xf32, #tpu.memory_space<vmem>>, vector<128x128xf32>
      %add3A_73 = arith.addf %add3A_69, %get3A_72 : vector<128x128xf32>
      %get3A_74 = arith.constant 0 : index
      %get3A_75 = arith.constant 0 : index
      %get3A_76 = vector.load %arg3[%get3A_74, %get3A_75] : memref<128x8xf32, #tpu.memory_space<vmem>>, vector<128x1xf32>
      %get3A_77 = vector.shape_cast %get3A_76 : vector<128x1xf32> to vector<128xf32>
      %max3A = arith.constant 1.000000e+00 : f32
      %max3A_78 = vector.broadcast %max3A : f32 to vector<128xf32>
      %max3A_79 = arith.maximumf %get3A_77, %max3A_78 : vector<128xf32>
      %broadcast_in_dim3A_80 = vector.shape_cast %max3A_79 : vector<128xf32> to vector<128x1xf32>
      %div3A_81 = vector.broadcast %broadcast_in_dim3A_80 : vector<128x1xf32> to vector<128x128xf32>
      %div3A_82 = arith.divf %add3A_73, %div3A_81 : vector<128x128xf32>
      %convert_element_type3A_83 = arith.truncf %div3A_82 : vector<128x128xf32> to vector<128x128xbf16>
      %swap3A_84 = arith.constant 0 : index
      %swap3A_85 = arith.constant 0 : index
      %swap3A_86 = vector.load %arg7[%swap3A_84, %swap3A_85] : memref<128x128xbf16, #tpu.memory_space<vmem>>, vector<128x128xbf16>
      tpu.vector_store %arg7[%swap3A_84, %swap3A_85], %convert_element_type3A_83 {strides = array<i32>} : memref<128x128xbf16, #tpu.memory_space<vmem>>, vector<128x128xbf16>,
      %broadcast_in_dim3A_87 = arith.constant 0.000000e+00 : f32
      %broadcast_in_dim3A_88 = vector.broadcast %broadcast_in_dim3A_87 : f32 to vector<1x1xf32>
      %swap3A_89 = arith.constant 0 : index
      %swap3A_90 = arith.constant 0 : index
      %swap3A_91 = vector.load %arg6[%swap3A_89, %swap3A_90] : memref<1x1xf32, #tpu.memory_space<vmem>>, vector<1x1xf32>
      tpu.vector_store %arg6[%swap3A_89, %swap3A_90], %broadcast_in_dim3A_88 {strides = array<i32>} : memref<1x1xf32, #tpu.memory_space<vmem>>, vector<1x1xf32>,
    } else {
    }
    %get3A = arith.constant 0 : index
    %get3A_2 = arith.constant 0 : index
    %get3A_3 = arith.constant 0 : index
    %get3A_4 = vector.load %arg5[%get3A, %get3A_2, %get3A_3] : memref<1x1x4096xi32, #tpu.memory_space<vmem>>, vector<1x1x4096xi32>
    %get3A_5 = vector.shape_cast %get3A_4 : vector<1x1x4096xi32> to vector<4096xi32>
    %jit3A = arith.constant 1000 : i32
    %div3A = vector.broadcast %jit3A : i32 to vector<4096xi32>
    %div3A_6 = arith.divsi %get3A_5, %div3A : vector<4096xi32>
    %sign3A = arith.constant 0 : i32
    %sign3A_7 = vector.broadcast %sign3A : i32 to vector<4096xi32>
    %sign3A_8 = arith.cmpi sgt, %get3A_5, %sign3A_7 : vector<4096xi32>
    %sign3A_9 = arith.extui %sign3A_8 : vector<4096xi1> to vector<4096xi32>
    %sign3A_10 = arith.constant 0 : i32
    %sign3A_11 = vector.broadcast %sign3A_10 : i32 to vector<4096xi32>
    %sign3A_12 = arith.cmpi slt, %get3A_5, %sign3A_11 : vector<4096xi32>
    %sign3A_13 = arith.extui %sign3A_12 : vector<4096xi1> to vector<4096xi32>
    %sign3A_14 = arith.subi %sign3A_9, %sign3A_13 : vector<4096xi32>
    %sign3A_15 = arith.constant 0 : i32
    %sign3A_16 = arith.cmpi sgt, %jit3A, %sign3A_15 : i32
    %sign3A_17 = arith.extui %sign3A_16 : i1 to i32
    %sign3A_18 = arith.constant 0 : i32
    %sign3A_19 = arith.cmpi slt, %jit3A, %sign3A_18 : i32
    %sign3A_20 = arith.extui %sign3A_19 : i1 to i32
    %sign3A_21 = arith.subi %sign3A_17, %sign3A_20 : i32
    %ne3A = vector.broadcast %sign3A_21 : i32 to vector<4096xi32>
    %ne3A_22 = arith.cmpi ne, %sign3A_14, %ne3A : vector<4096xi32>
    %rem3A = vector.broadcast %jit3A : i32 to vector<4096xi32>
    %rem3A_23 = arith.remsi %get3A_5, %rem3A : vector<4096xi32>
    %ne3A_24 = arith.constant 0 : i32
    %ne3A_25 = vector.broadcast %ne3A_24 : i32 to vector<4096xi32>
    %ne3A_26 = arith.cmpi ne, %rem3A_23, %ne3A_25 : vector<4096xi32>
    %and3A = arith.andi %ne3A_22, %ne3A_26 : vector<4096xi1>
    %sub3A = arith.constant 1 : i32
    %sub3A_27 = vector.broadcast %sub3A : i32 to vector<4096xi32>
    %sub3A_28 = arith.subi %div3A_6, %sub3A_27 : vector<4096xi32>
    %select_n3A = arith.select %and3A, %sub3A_28, %div3A_6 : vector<4096xi1>, vector<4096xi32>
    %broadcast_in_dim3A = vector.shape_cast %select_n3A : vector<4096xi32> to vector<4096x1xi32>
    %iota3A = tpu.iota {dimensions = array<i32: 1>} : vector<4096x128xi32>
    %eq3A_29 = vector.broadcast %broadcast_in_dim3A : vector<4096x1xi32> to vector<4096x128xi32>
    %eq3A_30 = arith.cmpi eq, %eq3A_29, %iota3A : vector<4096x128xi32>
    %convert_element_type3A_31 = arith.extui %eq3A_30 : vector<4096x128xi1> to vector<4096x128xi32>
    %convert_element_type3A_32 = arith.sitofp %convert_element_type3A_31 : vector<4096x128xi32> to vector<4096x128xf32>
    %convert_element_type3A_33 = arith.truncf %convert_element_type3A_32 : vector<4096x128xf32> to vector<4096x128xbf16>
    %get3A_34 = arith.constant 0 : index
    %get3A_35 = arith.constant 0 : index
    %get3A_36 = vector.load %arg7[%get3A_34, %get3A_35] : memref<128x128xbf16, #tpu.memory_space<vmem>>, vector<128x128xbf16>
    %dot_general3A = arith.constant dense<0.000000e+00> : vector<4096x128xf32>
    %dot_general3A_37 = tpu.matmul %convert_element_type3A_33, %get3A_36, %dot_general3A {dimension_numbers = #tpu.dot_dimension_numbers<[1], [0], [0], [1], [0, 0, 1, 1], [], []>, transpose_lhs_hint = false} : vector<4096x128xbf16>, vector<128x128xbf16>, vector<4096x128xf32> -> vector<4096x128xf32>
    %convert_element_type3A_38 = arith.truncf %dot_general3A_37 : vector<4096x128xf32> to vector<4096x128xbf16>
    %get3A_39 = arith.constant 0 : index
    %get3A_40 = arith.constant 0 : index
    %get3A_41 = vector.load %arg4[%get3A_39, %get3A_40] : memref<4096x128xf32, #tpu.memory_space<vmem>>, vector<4096x128xf32>
    %convert_element_type3A_42 = arith.truncf %get3A_41 : vector<4096x128xf32> to vector<4096x128xbf16>
    %sub3A_43 = arith.subf %convert_element_type3A_42, %convert_element_type3A_38 : vector<4096x128xbf16>
    %mul3A = arith.mulf %sub3A_43, %sub3A_43 : vector<4096x128xbf16>
    %broadcast_in_dim3A_44 = arith.constant 1.000000e+00 : bf16
    %broadcast_in_dim3A_45 = vector.broadcast %broadcast_in_dim3A_44 : bf16 to vector<128x8xbf16>
    %dot_general3A_46 = arith.constant dense<0.000000e+00> : vector<4096x8xf32>
    %dot_general3A_47 = tpu.matmul %mul3A, %broadcast_in_dim3A_45, %dot_general3A_46 {dimension_numbers = #tpu.dot_dimension_numbers<[1], [0], [0], [1], [0, 0, 1, 1], [], []>, transpose_lhs_hint = false} : vector<4096x128xbf16>, vector<128x8xbf16>, vector<4096x8xf32> -> vector<4096x8xf32>
    %slice3A = vector.extract_strided_slice %dot_general3A_47 {offsets = [0, 0], sizes = [4096, 1], strides = [1, 1]} : vector<4096x8xf32> to vector<4096x1xf32>
    %squeeze3A = vector.shape_cast %slice3A : vector<4096x1xf32> to vector<4096xf32>
    %sqrt3A = math.sqrt %squeeze3A : vector<4096xf32>
    %get3A_48 = arith.constant 0 : index
    %get3A_49 = arith.constant 0 : index
    %get3A_50 = vector.load %arg6[%get3A_48, %get3A_49] : memref<1x1xf32, #tpu.memory_space<vmem>>, vector<1x1xf32>
    %reduce_sum3A = vector.shape_cast %sqrt3A : vector<4096xf32> to vector<1x4096xf32>
    %reduce_sum3A_51 = arith.constant dense<0.000000e+00> : vector<1xf32>
    %reduce_sum3A_52 = vector.multi_reduction <add>, %reduce_sum3A, %reduce_sum3A_51 [1] : vector<1x4096xf32> to vector<1xf32>
    %reduce_sum3A_53 = vector.shape_cast %reduce_sum3A_52 : vector<1xf32> to vector<1x1xf32>
    %reduce_sum3A_54 = vector.extract %reduce_sum3A_53[0, 0] : f32 from vector<1x1xf32>
    %mul3A_55 = arith.constant 6.10351563E-5 : f32
    %mul3A_56 = arith.mulf %reduce_sum3A_54, %mul3A_55 : f32
    %reshape3A = vector.broadcast %mul3A_56 : f32 to vector<1x1xf32>
    %add3A = arith.addf %get3A_50, %reshape3A : vector<1x1xf32>
    %swap3A = arith.constant 0 : index
    %swap3A_57 = arith.constant 0 : index
    %swap3A_58 = vector.load %arg6[%swap3A, %swap3A_57] : memref<1x1xf32, #tpu.memory_space<vmem>>, vector<1x1xf32>
    tpu.vector_store %arg6[%swap3A, %swap3A_57], %add3A {strides = array<i32>} : memref<1x1xf32, #tpu.memory_space<vmem>>, vector<1x1xf32>,
    return
  }
  func.func @transform_0(%arg0: i32) -> (i32, i32, i32) {
    %c0_i32 = arith.constant 0 : i32
    %c0_i32_0 = arith.constant 0 : i32
    %c0_i32_1 = arith.constant 0 : i32
    %c0_i32_2 = arith.constant 0 : i32
    return %c0_i32, %c0_i32_0, %c0_i32_1 : i32, i32, i32
  }
  func.func @transform_1(%arg0: i32) -> (i32, i32) {
    %c0_i32 = arith.constant 0 : i32
    %c0_i32_0 = arith.constant 0 : i32
    %c0_i32_1 = arith.constant 0 : i32
    return %c0_i32, %c0_i32_0 : i32, i32
  }
  func.func @transform_2(%arg0: i32) -> (i32, i32) {
    %c0_i32 = arith.constant 0 : i32
    %c0_i32_0 = arith.constant 0 : i32
    %c0_i32_1 = arith.constant 0 : i32
    return %c0_i32, %c0_i32_0 : i32, i32
  }
  func.func @transform_3(%arg0: i32) -> (i32, i32) {
    %c0_i32 = arith.constant 0 : i32
    %c0_i32_0 = arith.constant 0 : i32
    return %arg0, %c0_i32 : i32, i32
  }
  func.func @transform_4(%arg0: i32) -> (i32, i32, i32) {
    %c0_i32 = arith.constant 0 : i32
    %c0_i32_0 = arith.constant 0 : i32
    %c0_i32_1 = arith.constant 0 : i32
    return %arg0, %c0_i32, %c0_i32_0 : i32, i32, i32
  }
  func.func @transform_5(%arg0: i32) -> (i32, i32) {
    %c0_i32 = arith.constant 0 : i32
    %c0_i32_0 = arith.constant 0 : i32
    %c0_i32_1 = arith.constant 0 : i32
    return %c0_i32, %c0_i32_0 : i32, i32
  }
}

</mosaic_0001>

<sc_bundles>
// kernel: kernel.5.cloned.1.call-start
scs
__scs_entry_jumppad:
0x0: {  	(pc) =	sbr.rel $0x88, $3  }
0x1: {  	(tag) =	ssettag $0x0;
	lr =	simm.s32 $0x1  }
0x2: {  	[smem:$0x3F9D] =	sst lr;
	_ =	strace $0xD0000000  }
0x3: {  	_ = 	snop  }
0x4: {  	_ = 	snop  }
0x5: {  	_ = 	snop  }
0x6: {  	_ = 	snop  }
0x7: {  	_ = 	snop  }
__scs_overlays_trampoline_lowered:
0x8: {  	[smem:$0x3FAC] =	sst s0  }
0x9: {  	[smem:$0x3FAD] =	sst s1  }
0xa: {  	[smem:$0x3FAE] =	sst s2  }
0xb: {  	[smem:$0x3FAF] =	sst s3  }
0xc: {  	[smem:$0x3FB0] =	sst s4  }
0xd: {  	[smem:$0x3FB1] =	sst s5  }
0xe: {  	[smem:$0x3FB2] =	sst s6  }
0xf: {  	[smem:$0x3FB3] =	sst s7  }
0x10: {  	[smem:$0x3FB4] =	sst s8  }
0x11: {  	[smem:$0x3FB5] =	sst s9;
	s0 =	simm.s32 @!p0 $0x0  }
0x12: {  	s1 =	sld [smem:$0x3F9B];
	s0 =	simm.s32 @p0 $0x1  }
0x13: {  	[smem:$0x3FB6] =	sst s0;
	s0 =	simm.s32 @!p1 $0x0  }
0x14: {  	s2 =	sld [smem:$0x3F9A];
	s0 =	simm.s32 @p1 $0x1  }
0x15: {  	[smem:$0x3FB7] =	sst s0;
	s0 =	simm.s32 @!p2 $0x0  }
0x16: {  	s3 =	sld [smem:$0x3FDB];
	s0 =	simm.s32 @p2 $0x1  }
0x17: {  	s4 =	simm.s32 $0x1BF5;
	[smem:$0x3FB9] =	sst s0  }
0x18: {  	s0 =	sld [smem:$0x3F9C];
	_ =	swait.ge [sflag:s4], $0x0  }
0x19: {  	s7 =	sld [smem:$0x3F9D]  }
0x1a: {  	s8 =	sadd.s32 $0xFFFFE003, lr  }
0x1b: {  	s9 =	sadd.s32 $0xFFFFFEF7, lr;
	s5 =	simm.s32 $0xFFFFFFFF;
	p2 =	slt.u32 s8, $0xFFFFF086  }
0x1c: {  	p1 =	slt.u32 s9, $0xF7A;
	s5 =	simm.s32 @!p2 $0x0  }
0x1d: {  	s5 =	simm.s32 @p1 $0x1;
	p0 =	seq.s32 s7, s2  }
0x1e: {  	s7 =	smul.u32 @!p0 $0xF7A, s2;
	p2 =	seq.s32 @!p0 s5, $0x0  }
0x1f: {  	s9 =	smul.u32 $0xF7A, s1;
	s8 =	simm.s32 @!p0 $0x1BF5;
	p2 =	por !p2, p0  }
0x20: {  	[sflag:s8] =	ssyncset.s32 @!p0 $0xFFFFF086;
	s6 =	sadd.s32 @!p0 s3, s7;
	s7 =	simm.s32 @!p0 $0x108  }
0x21: {  	s3 =	sadd.s32 s3, s9;
	s6 =	sadd.s32 @!p0 $0x88, s6;
	s7 =	simm.s32 @p2 $0x1082  }
0x22: {  	[simem:s7], [sflag:s8] =	dma.local @!p0 [hbm:s6], $0xF7A  }
0x23: {  	s9 =	sor.u32 $0xD0000000, s2;
	s6 =	simm.s32 $0x108;
	_ =	swait.ge @!p0 [sflag:s8], $0x0  }
0x24: {  	s3 =	sadd.s32 $0x88, s3;
	s6 =	simm.s32 @!p1 $0x1082;
	[sflag:s4] =	ssyncset.s32 $0xFFFFF086  }
0x25: {  	[simem:s6], [sflag:s4] =	dma.local [hbm:s3], $0xF7A  }
0x26: {  	[smem:$0x3F9D] =	sst s1;
	(tag) =	ssettag s2;
	_ =	strace s9  }
0x27: {  	s1 =	sld [smem:$0x3FAD]  }
0x28: {  	s2 =	sld [smem:$0x3FAE]  }
0x29: {  	s4 =	sld [smem:$0x3FB0]  }
0x2a: {  	p0 =	seq.s32 s5, $0x0;
	s5 =	sld [smem:$0x3FB1]  }
0x2b: {  	s6 =	sld [smem:$0x3FB2]  }
0x2c: {  	s7 =	sld [smem:$0x3FB3]  }
0x2d: {  	s3 =	simm.s32 $0x108;
	s8 =	sld [smem:$0x3FB4]  }
0x2e: {  	s3 =	simm.s32 @!p0 $0x1082;
	s9 =	sld [smem:$0x3FB5]  }
0x2f: {  	lr =	sadd.s32 s0, s3;
	s0 =	sld [smem:$0x3FAC]  }
0x30: {  	s3 =	sld [smem:$0x3FAF]  }
0x31: {  	[smem:$0x3FB8] =	sst s10  }
0x32: {  	s10 =	sld [smem:$0x3FB6];
	_ =	sdelay $0x3  }
0x33: {  	p0 =	seq.s32 s10, $0x1;
	s10 =	sld [smem:$0x3FB8];
	_ =	sdelay $0x3  }
0x34: {  	[smem:$0x3FB8] =	sst s10  }
0x35: {  	s10 =	sld [smem:$0x3FB7];
	_ =	sdelay $0x3  }
0x36: {  	p1 =	seq.s32 s10, $0x1;
	s10 =	sld [smem:$0x3FB8];
	_ =	sdelay $0x3  }
0x37: {  	[smem:$0x3FB8] =	sst s10  }
0x38: {  	s10 =	sld [smem:$0x3FB9]  }
0x39: {  	_ = 	snop;
	(pc) =	sbr.ind lr, $3  }
0x3a: {  	_ = 	snop  }
0x3b: {  	_ = 	snop  }
0x3c: {  	p2 =	seq.s32 s10, $0x1;
	s10 =	sld [smem:$0x3FB8]  }
0x3d: {  	_ =	shalt  }
0x3e: {  	_ =	shalt  }
0x3f: {  	_ =	shalt  }
0x40: {  	_ =	shalt  }
0x41: {  	_ =	shalt  }
0x42: {  	_ =	shalt  }
0x43: {  	_ =	shalt  }
0x44: {  	_ =	shalt  }
0x45: {  	_ =	shalt  }
0x46: {  	_ =	shalt  }
0x47: {  	_ =	shalt  }
0x48: {  	_ =	shalt  }
0x49: {  	_ =	shalt  }
0x4a: {  	_ =	shalt  }
0x4b: {  	_ =	shalt  }
0x4c: {  	_ =	shalt  }
0x4d: {  	_ =	shalt  }
0x4e: {  	_ =	shalt  }
0x4f: {  	_ =	shalt  }
0x50: {  	_ =	shalt  }
0x51: {  	_ =	shalt  }
0x52: {  	_ =	shalt  }
0x53: {  	_ =	shalt  }
0x54: {  	_ =	shalt  }
0x55: {  	_ =	shalt  }
0x56: {  	_ =	shalt  }
0x57: {  	_ =	shalt  }
0x58: {  	_ =	shalt  }
0x59: {  	_ =	shalt  }
0x5a: {  	_ =	shalt  }
0x5b: {  	_ =	shalt  }
0x5c: {  	_ =	shalt  }
0x5d: {  	_ =	shalt  }
0x5e: {  	_ =	shalt  }
0x5f: {  	_ =	shalt  }
0x60: {  	_ =	shalt  }
0x61: {  	_ =	shalt  }
0x62: {  	_ =	shalt  }
0x63: {  	_ =	shalt  }
0x64: {  	_ =	shalt  }
0x65: {  	_ =	shalt  }
0x66: {  	_ =	shalt  }
0x67: {  	_ =	shalt  }
0x68: {  	_ =	shalt  }
0x69: {  	_ =	shalt  }
0x6a: {  	_ =	shalt  }
0x6b: {  	_ =	shalt  }
0x6c: {  	_ =	shalt  }
0x6d: {  	_ =	shalt  }
0x6e: {  	_ =	shalt  }
0x6f: {  	_ =	shalt  }
0x70: {  	_ =	shalt  }
0x71: {  	_ =	shalt  }
0x72: {  	_ =	shalt  }
0x73: {  	_ =	shalt  }
0x74: {  	_ =	shalt  }
0x75: {  	_ =	shalt  }
0x76: {  	_ =	shalt  }
0x77: {  	_ =	shalt  }
0x78: {  	_ =	shalt  }
0x79: {  	_ =	shalt  }
0x7a: {  	_ =	shalt  }
0x7b: {  	_ =	shalt  }
0x7c: {  	_ =	shalt  }
0x7d: {  	_ =	shalt  }
0x7e: {  	_ =	shalt  }
0x7f: {  	_ =	shalt  }
0x80: {  	_ =	shalt  }
0x81: {  	_ =	shalt  }
0x82: {  	_ =	shalt  }
0x83: {  	_ =	shalt  }
0x84: {  	_ =	shalt  }
0x85: {  	_ =	shalt  }
0x86: {  	_ =	shalt  }
0x87: {  	_ =	shalt  }
.Lfunc_end0:
.L_simem_size_0:
called_computation_lowered:
.L_overlay_start_0:
0x88: {  	s2 =	sld [smem:$0x3FD9]  }
0x89: {  	s3 =	sld [smem:$0x3FFE];
	_ =	sdelay $0x1  }
0x8a: {  	s1 =	srdreg.scid  }
0x8b: {  	s0 =	sand.u32 $0x1, s1  }
0x8c: {  	s17 =	sshll.u32 s0, $0xA;
	s2 =	sadd.s32 s3, s2  }
0x8d: {  	s2 =	sadd.s32 s2, s17  }
0x8e: {  	[smem:$0x3FC4] =	sst s2  }
0x8f: {  	_ = 	snop  }
0x90: {  	s2 =	sld [smem:$0x3FC7]  }
0x91: {  	s18 =	sld [smem:$0x3FC6];
	(tm) =	ssettm $0x1  }
0x92: {  	s4 =	sld [smem:$0x3FFB];
	_ =	sdelay $0x3  }
0x93: {  	_ =	strace s4  }
0x94: {  	s4 =	sld [smem:$0x3FFC];
	_ =	sdelay $0x3  }
0x95: {  	_ =	strace s4  }
0x96: {  	s4 =	sld [smem:$0x3FFD];
	_ =	sdelay $0x3  }
0x97: {  	_ =	strace s4  }
0x98: {  	_ =	strace $0x8FFFFFFF  }
0x99: {  	s19 =	sld [smem:$0x3FDB];
	_ =	sdelay $0x1  }
0x9a: {  	s5 =	simm.s32 $_scs_section_size  }
0x9b: {  	s6 =	simm.s32 $_size__tile_overlayer_lowered;
	s7 =	simm.s32 $_tile_overlayer_lowered  }
0x9c: {  	s22 =	simm.s32 $0x1BFF;
	s21 =	sshll.u32 s7, $0x1;
	s4 =	sadd.s32 s5, s19  }
0x9d: {  	s8 =	simm.s32 $0x0;
	s20 =	sshll.u32 s6, $0x1;
	s6 =	sadd.s32 s21, s4  }
0x9e: {  	[timem:s8], [sflag:s22] =	dma.local [hbm:s6], s20  }
0x9f: {  	_ =	swait.ge [sflag:s22], s20  }
0xa0: {  	s5 =	ssub.s32 $0x0, s20;
	[sflag:s22] =	ssyncset.done $0x0  }
0xa1: {  	[sflag:s22] =	ssyncadd.s32 s5;
	_ =	sdelay $0x1  }
0xa2: {  	s23 =	simm.s32 $0x1B8B  }
0xa3: {  	_ =	swait.ge [sflag:s23], $0x1  }
0xa4: {  	[sflag:s23] =	ssyncset.done $0x0  }
0xa5: {  	s25 =	simm.s32 $0x1B8E;
	s24 =	sld [smem:$0x3FFE];
	[sflag:s23] =	ssyncadd.s32 $0xFFFFFFFF  }
0xa6: {  	s26 =	simm.s32 $execute0_lowered;
	[smem:$0x3FD2] =	sst s25  }
0xa7: {  	s6 =	sshll.u32 s26, $0x1;
	_ =	strace $0x80000046;
	[dreg:$0x1] =	wrdreg $0xFFFFFFFF  }
0xa8: {  	s28 =	simm.s32 $_size_execute0_lowered;
	s4 =	sadd.s32 s4, s6;
	[dreg:$0x0] =	wrdreg $0x0  }
0xa9: {  	s6 =	sshll.u32 s28, $0x1;
	[dreg:$0x2] =	wrdreg s4  }
0xaa: {  	[dreg:$0x3] =	wrdreg s6  }
0xab: {  	[dreg:$0x4] =	wrdreg $0xC0  }
0xac: {  	_ =	task [dreg:s8], $0x5FFFF  }
0xad: {  	[dreg:$0x1] =	wrdreg $0xFFFFFFFF  }
0xae: {  	[dreg:$0x0] =	wrdreg $0x60  }
0xaf: {  	[dreg:$0x2] =	wrdreg s2  }
0xb0: {  	[dreg:$0x3] =	wrdreg s18  }
0xb1: {  	[dreg:$0x4] =	wrdreg s24  }
0xb2: {  	[dreg:$0x5] =	wrdreg $0x184000  }
0xb3: {  	[dreg:$0x6] =	wrdreg $0x9  }
0xb4: {  	_ =	task.clear_ibuf [dreg:s8], $0x7FFFF;
	_ =	strace $0x90000046  }
0xb5: {  	s29 =	simm.s32 $0x9;
	_ =	strace $0x80000048  }
0xb6: {  	_ =	swait.ge [sflag:s29], $0x1  }
0xb7: {  	[sflag:s29] =	ssyncadd.s32 $0xFFFFFFFF  }
0xb8: {  	_ =	strace $0x90000048  }
0xb9: {  	_ =	sfence  }
0xba: {  	s30 =	sld [smem:$0x0];
	_ =	sdelay $0x2  }
0xbb: {  	s31 =	sshll.u32 s1, $0xD;
	s1 =	sshrl.u32 s1, $0x2  }
0xbc: {  	s3 =	sand.u32 $0x4000, s31;
	s1 =	sadd.s32 s1, s30  }
0xbd: {  	s0 =	sor.u32 s3, s0;
	s1 =	sshll.u32 s1, $0x11  }
0xbe: {  	s0 =	sor.u32 s1, s0  }
0xbf: {  	s0 =	sadd.s32 $0x8F2B, s0  }
0xc0: {  	[sflag:s0] =	ssyncadd.remote.s32 $0x1  }
0xc1: {  	_ =	sfence.sel $0xFFFF  }
0xc2: {  	[dreg:$0x0] =	wrdreg $0xFFFFFFFF;
	(pc) =	sbr.abs _section_cstart, $3  }
0xc3: {  	[dreg:$0x1] =	wrdreg $0xFFFFFFFF  }
0xc4: {  	_ =	task.clear_ibuf [dreg:s8], $0x2FFFF;
	_ =	strace $0x9FFFFFFF  }
0xc5: {  	(tm) =	ssettm $0x7FFFFFFF  }
tec
execute0_lowered:
.L_overlay_start_1:
0x0: {  	(tag) =	ssettag $0x1  }
0x1: {  	s0 =	rddreg [dreg:$0x0]  }
0x2: {  	s1 =	srdreg.scid;
	s5 =	rddreg [dreg:$0x1]  }
0x3: {  	s3 =	rddreg [dreg:$0x2];
	s4 =	stileid.u32;
	s6 =	sand.u32 $0x1, s1  }
0x4: {  	s31 =	rddreg [dreg:$0x4];
	s30 =	simm.s32 $0xF000;
	s2 =	sshll.u32 s6, $0x4  }
0x5: {  	p1 =	por $0x0, $0x0;
	s1 =	rddreg [dreg:$0x3];
	s7 =	sor.u32 s4, s2  }
0x6: {  	s9 =	sadd.s32 $0x1400, s3;
	s2 =	simm.s32 $0x0;
	s8 =	smul.u32 $0x180, s7  }
0x7: {  	p0 =	sne.s32 s4, $0x0;
	[smem:$0x7FF] =	sst s2;
	s7 =	smul.u32 $0x1800, s7  }
0x8: {  	s4 =	simm.s32 $0x6;
	_ =	strace $0x80000047;
	s10 =	sshrl.u32 s8, $0x3  }
0x9: {  	[dreg:$0x5] =	wrdreg s9;
	s7 =	sadd.s32 s0, s7;
	s28 =	sadd.s32 s5, s10  }
0xa: {  	s20 =	sadd.s32 $0x3000, s8;
	[dreg:$0x6] =	wrdreg s7;
	s18 =	sadd.s32 $0xC, s28  }
0xb: {  	s29 =	sadd.s32 $0x6000, s8;
	s19 =	sadd.s32 $0x18, s28;
	[dreg:$0x7] =	wrdreg s18  }
0xc: {  	s22 =	sshll.u32 s20, $0x4;
	s21 =	sadd.s32 $0x24, s28;
	[dreg:$0x8] =	wrdreg s19  }
0xd: {  	s9 =	sshrl.u32 s20, $0x3;
	s23 =	sadd.s32 s0, s22;
	[dreg:$0x9] =	wrdreg s21  }
0xe: {  	s8 =	sadd.s32 $0x9000, s8;
	s24 =	sadd.s32 s5, s9;
	[dreg:$0xa] =	wrdreg s23  }
0xf: {  	s12 =	sshll.u32 s29, $0x4;
	s25 =	sadd.s32 $0x60C, s28;
	[dreg:$0xb] =	wrdreg s24  }
0x10: {  	s7 =	simm.s32 $0xC000;
	s26 =	sadd.s32 $0x618, s28;
	[dreg:$0xc] =	wrdreg s25  }
0x11: {  	s10 =	simm.s32 $0x18300;
	s11 =	sadd.s32 $0x624, s28;
	[dreg:$0xd] =	wrdreg s26  }
0x12: {  	s13 =	sadd.s32 s0, s12;
	s9 =	sshrl.u32 s29, $0x3;
	[dreg:$0xe] =	wrdreg s11  }
0x13: {  	s15 =	sadd.s32 $0xC0C, s28;
	s16 =	sadd.s32 $0xC18, s28;
	[dreg:$0xf] =	wrdreg s13  }
0x14: {  	s17 =	sadd.s32 $0xC24, s28;
	s22 =	sadd.s32 $0x120C, s28;
	[dreg:$0x11] =	wrdreg s15  }
0x15: {  	s12 =	simm.s32 $0x60;
	s14 =	sadd.s32 s5, s9;
	[dreg:$0x12] =	wrdreg s16  }
0x16: {  	s18 =	sshll.u32 s8, $0x4;
	[dreg:$0x13] =	wrdreg s17;
	s19 =	sshrl.u32 s8, $0x3  }
0x17: {  	s21 =	sshll.u32 s6, $0xB;
	s6 =	ssub.s32 $0x2, s6;
	[dreg:$0x16] =	wrdreg s22  }
0x18: {  	s23 =	sadd.s32 $0x1218, s28;
	s25 =	sadd.s32 $0x1224, s28;
	s16 =	simm.s32 $0x18000  }
0x19: {  	s17 =	simm.s32 $0x18080;
	s8 =	simm.s32 $0x18200;
	s9 =	simm.s32 $0x18280  }
0x1a: {  	s11 =	simm.s32 $0x18380;
	s22 =	simm.s32 $0x3;
	s24 =	sshrl.u32 s6, $0x1  }
0x1b: {  	s15 =	simm.s32 $0x4;
	[dreg:$0x10] =	wrdreg s14;
	s26 =	ssub.s32 s6, s24  }
0x1c: {  	s0 =	sadd.s32 s0, s18;
	s20 =	sadd.s32 s5, s19;
	s29 =	smax.u32 s26, $0x1  }
0x1d: {  	[dreg:$0x17] =	wrdreg s23;
	s3 =	sadd.s32 s21, s3;
	s13 =	sadd.s32 $0xFFFFFFFF, s29  }
0x1e: {  	[dreg:$0x18] =	wrdreg s25;
	s18 =	simm.s32 $0x18100;
	p2 =	sne.s32 s13, $0x0  }
.Ltmp0:
0x1f: {  	s19 =	simm.s32 $0x18180;
	s23 =	simm.s32 $0x3000;
	(pc) =	sbr.rel @!p2 .LBB2_1-.Ltmp0, $4  }
0x20: {  	s25 =	simm.s32 $0x9000;
	s21 =	simm.s32 $0x2;
	[dreg:$0x14] =	wrdreg s0  }
0x21: {  	s14 =	simm.s32 $0x12000;
	s5 =	sshrl.u32 @!p0 s1, $0x3;
	[dreg:$0x15] =	wrdreg s20  }
0x22: {  	s3 =	sadd.s32 $0x1C00, s3;
	s24 =	simm.s32 $0x6000;
	s6 =	simm.s32 $0x5  }
0x23: {  	s20 =	simm.s32 $0x15000;
	s0 =	rddreg [dreg:$0x5];
	s26 =	simm.s32 $0x1  }
0x24: {  	s31 =	simm.s32 @!p0 $0x1C07;
	s29 =	simm.s32 @!p0 $0x7  }
0x25: {  	[spmem:s5], [sflag:s31] =	dma.local @!p0 [hbm:s0], $0x800  }
0x26: {  	_ =	swait.ge @!p0 [sflag:s29], $0x800  }
0x27: {  	[sflag:s29] =	ssyncset.done @!p0 $0x0  }
0x28: {  	[sflag:s29] =	ssyncadd.s32 @!p0 $0xFFFFF800  }
0x29: {  	[bflag:$0x0] =	sbarrier.arrive $0xFFFF  }
0x2a: {  	s0 =	rddreg [dreg:$0x6]  }
0x2b: {  	[tilespmem:s2], [sflag:$0x1] =	stream.linear.gather [hbm4b:s0+s2], $0xC000, $0x38;
	[tilespmem:$0x18800] =	vst v63  }
0x2c: {  	_ = 	snop  }
0x2d: {  	[tilespmem:s16], [sflag:$0x3] =	stream.linear.gather [hbm4b:s28+s2], $0x60, $0x38;
	[tilespmem:$0x18800] =	vst v63  }
0x2e: {  	s0 =	rddreg [dreg:$0x7]  }
0x2f: {  	[tilespmem:s17], [sflag:$0x3] =	stream.linear.gather [hbm4b:s0+s2], $0x60, $0x38;
	[tilespmem:$0x18800] =	vst v63  }
0x30: {  	s31 =	rddreg [dreg:$0x8]  }
0x31: {  	[tilespmem:s18], [sflag:$0x3] =	stream.linear.gather [hbm4b:s31+s2], $0x60, $0x38;
	[tilespmem:$0x18800] =	vst v63  }
0x32: {  	s0 =	rddreg [dreg:$0x9]  }
0x33: {  	[tilespmem:s19], [sflag:$0x3] =	stream.linear.gather [hbm4b:s0+s2], $0x60, $0x38;
	[tilespmem:$0x18800] =	vst v63  }
0x34: {  	s31 =	rddreg [dreg:$0xa]  }
0x35: {  	[tilespmem:s7], [sflag:$0x2] =	stream.linear.gather [hbm4b:s31+s2], $0xC000, $0x38;
	[tilespmem:$0x18800] =	vst v63  }
0x36: {  	s0 =	rddreg [dreg:$0xb]  }
0x37: {  	[tilespmem:s8], [sflag:$0x4] =	stream.linear.gather [hbm4b:s0+s2], $0x60, $0x38;
	[tilespmem:$0x18800] =	vst v63  }
0x38: {  	s31 =	rddreg [dreg:$0xc]  }
0x39: {  	[tilespmem:s9], [sflag:$0x4] =	stream.linear.gather [hbm4b:s31+s2], $0x60, $0x38;
	[tilespmem:$0x18800] =	vst v63  }
0x3a: {  	s0 =	rddreg [dreg:$0xd]  }
0x3b: {  	[tilespmem:s10], [sflag:$0x4] =	stream.linear.gather [hbm4b:s0+s2], $0x60, $0x38;
	[tilespmem:$0x18800] =	vst v63  }
0x3c: {  	s31 =	rddreg [dreg:$0xe]  }
0x3d: {  	[tilespmem:s11], [sflag:$0x4] =	stream.linear.gather [hbm4b:s31+s2], $0x60, $0x38;
	[tilespmem:$0x18800] =	vst v63  }
0x3e: {  	_ =	swait.ge [sflag:s26], $0xC000  }
0x3f: {  	[sflag:s26] =	ssyncset.done $0x0  }
0x40: {  	[sflag:s26] =	ssyncadd.s32 $0xFFFF4000  }
0x41: {  	_ =	swait.ge [sflag:s22], $0x60  }
0x42: {  	[sflag:s22] =	ssyncset.done $0x0  }
0x43: {  	[sflag:s22] =	ssyncadd.s32 $0xFFFFFFA0  }
0x44: {  	_ =	swait.ge [sflag:s22], $0x60  }
0x45: {  	[sflag:s22] =	ssyncset.done $0x0  }
0x46: {  	[sflag:s22] =	ssyncadd.s32 $0xFFFFFFA0  }
0x47: {  	_ =	swait.ge [sflag:s22], $0x60  }
0x48: {  	[sflag:s22] =	ssyncset.done $0x0  }
0x49: {  	[sflag:s22] =	ssyncadd.s32 $0xFFFFFFA0  }
0x4a: {  	_ =	swait.ge [sflag:s22], $0x60  }
0x4b: {  	[sflag:s22] =	ssyncset.done $0x0  }
0x4c: {  	[sflag:s22] =	ssyncadd.s32 $0xFFFFFFA0  }
0x4d: {  	[spmem:s1] =	stream.indirect.scatter.add.f32 [tilespmem:s2], [sflag:$0x5], $0x80, s16, s12, $0xb8;
	[tilespmem:$0x18800] =	vst v63  }
0x4e: {  	_ = 	snop  }
0x4f: {  	[spmem:s1] =	stream.indirect.scatter.add.f32 [tilespmem:s23], [sflag:$0x5], $0x80, s17, s12, $0xb8;
	[tilespmem:$0x18800] =	vst v63  }
0x50: {  	_ = 	snop  }
0x51: {  	[spmem:s1] =	stream.indirect.scatter.add.f32 [tilespmem:s24], [sflag:$0x5], $0x80, s18, s12, $0xb8;
	[tilespmem:$0x18800] =	vst v63  }
0x52: {  	_ = 	snop  }
0x53: {  	[spmem:s1] =	stream.indirect.scatter.add.f32 [tilespmem:s25], [sflag:$0x5], $0x80, s19, s12, $0xb8;
	[tilespmem:$0x18800] =	vst v63  }
0x54: {  	_ =	swait.ge [sflag:s6], $0x3000  }
0x55: {  	[sflag:s6] =	ssyncset.done $0x0  }
0x56: {  	[sflag:s6] =	ssyncadd.s32 $0xFFFFD000  }
0x57: {  	_ =	swait.ge [sflag:s6], $0x3000  }
0x58: {  	[sflag:s6] =	ssyncset.done $0x0  }
0x59: {  	[sflag:s6] =	ssyncadd.s32 $0xFFFFD000  }
0x5a: {  	_ =	swait.ge [sflag:s6], $0x3000  }
0x5b: {  	[sflag:s6] =	ssyncset.done $0x0  }
0x5c: {  	[sflag:s6] =	ssyncadd.s32 $0xFFFFD000  }
0x5d: {  	_ =	swait.ge [sflag:s6], $0x3000  }
0x5e: {  	[sflag:s6] =	ssyncset.done $0x0  }
0x5f: {  	s0 =	rddreg [dreg:$0xf];
	[sflag:s6] =	ssyncadd.s32 $0xFFFFD000  }
0x60: {  	[tilespmem:s2], [sflag:$0x1] =	stream.linear.gather [hbm4b:s0+s2], $0xC000, $0x38;
	[tilespmem:$0x18800] =	vst v63  }
0x61: {  	s31 =	rddreg [dreg:$0x10]  }
0x62: {  	[tilespmem:s16], [sflag:$0x3] =	stream.linear.gather [hbm4b:s31+s2], $0x60, $0x38;
	[tilespmem:$0x18800] =	vst v63  }
0x63: {  	s0 =	rddreg [dreg:$0x11]  }
0x64: {  	[tilespmem:s17], [sflag:$0x3] =	stream.linear.gather [hbm4b:s0+s2], $0x60, $0x38;
	[tilespmem:$0x18800] =	vst v63  }
0x65: {  	s31 =	rddreg [dreg:$0x12]  }
0x66: {  	[tilespmem:s18], [sflag:$0x3] =	stream.linear.gather [hbm4b:s31+s2], $0x60, $0x38;
	[tilespmem:$0x18800] =	vst v63  }
0x67: {  	s0 =	rddreg [dreg:$0x13]  }
0x68: {  	[tilespmem:s19], [sflag:$0x3] =	stream.linear.gather [hbm4b:s0+s2], $0x60, $0x38;
	[tilespmem:$0x18800] =	vst v63  }
0x69: {  	_ =	swait.ge [sflag:s21], $0xC000  }
0x6a: {  	[sflag:s21] =	ssyncset.done $0x0  }
0x6b: {  	[sflag:s21] =	ssyncadd.s32 $0xFFFF4000  }
0x6c: {  	_ =	swait.ge [sflag:s15], $0x60  }
0x6d: {  	[sflag:s15] =	ssyncset.done $0x0  }
0x6e: {  	[sflag:s15] =	ssyncadd.s32 $0xFFFFFFA0  }
0x6f: {  	_ =	swait.ge [sflag:s15], $0x60  }
0x70: {  	[sflag:s15] =	ssyncset.done $0x0  }
0x71: {  	[sflag:s15] =	ssyncadd.s32 $0xFFFFFFA0  }
0x72: {  	_ =	swait.ge [sflag:s15], $0x60  }
0x73: {  	[sflag:s15] =	ssyncset.done $0x0  }
0x74: {  	[sflag:s15] =	ssyncadd.s32 $0xFFFFFFA0  }
0x75: {  	_ =	swait.ge [sflag:s15], $0x60  }
0x76: {  	[sflag:s15] =	ssyncset.done $0x0  }
0x77: {  	[sflag:s15] =	ssyncadd.s32 $0xFFFFFFA0  }
0x78: {  	[spmem:s1] =	stream.indirect.scatter.add.f32 [tilespmem:s7], [sflag:$0x6], $0x80, s8, s12, $0xb8;
	[tilespmem:$0x18800] =	vst v63  }
0x79: {  	_ = 	snop  }
0x7a: {  	[spmem:s1] =	stream.indirect.scatter.add.f32 [tilespmem:s30], [sflag:$0x6], $0x80, s9, s12, $0xb8;
	[tilespmem:$0x18800] =	vst v63  }
0x7b: {  	_ = 	snop  }
0x7c: {  	[spmem:s1] =	stream.indirect.scatter.add.f32 [tilespmem:s14], [sflag:$0x6], $0x80, s10, s12, $0xb8;
	[tilespmem:$0x18800] =	vst v63  }
0x7d: {  	_ = 	snop  }
0x7e: {  	[spmem:s1] =	stream.indirect.scatter.add.f32 [tilespmem:s20], [sflag:$0x6], $0x80, s11, s12, $0xb8;
	[tilespmem:$0x18800] =	vst v63  }
0x7f: {  	_ =	swait.ge [sflag:s4], $0x3000  }
0x80: {  	[sflag:s4] =	ssyncset.done $0x0  }
0x81: {  	[sflag:s4] =	ssyncadd.s32 $0xFFFFD000  }
0x82: {  	_ =	swait.ge [sflag:s4], $0x3000  }
0x83: {  	[sflag:s4] =	ssyncset.done $0x0  }
0x84: {  	[sflag:s4] =	ssyncadd.s32 $0xFFFFD000  }
0x85: {  	_ =	swait.ge [sflag:s4], $0x3000  }
0x86: {  	[sflag:s4] =	ssyncset.done $0x0  }
0x87: {  	[sflag:s4] =	ssyncadd.s32 $0xFFFFD000  }
0x88: {  	_ =	swait.ge [sflag:s4], $0x3000  }
0x89: {  	[sflag:s4] =	ssyncset.done $0x0  }
0x8a: {  	s0 =	rddreg [dreg:$0x14];
	[sflag:s4] =	ssyncadd.s32 $0xFFFFD000  }
0x8b: {  	[tilespmem:s7], [sflag:$0x2] =	stream.linear.gather [hbm4b:s0+s2], $0xC000, $0x38;
	[tilespmem:$0x18800] =	vst v63  }
0x8c: {  	s31 =	rddreg [dreg:$0x15]  }
0x8d: {  	[tilespmem:s8], [sflag:$0x4] =	stream.linear.gather [hbm4b:s31+s2], $0x60, $0x38;
	[tilespmem:$0x18800] =	vst v63  }
0x8e: {  	s0 =	rddreg [dreg:$0x16]  }
0x8f: {  	[tilespmem:s9], [sflag:$0x4] =	stream.linear.gather [hbm4b:s0+s2], $0x60, $0x38;
	[tilespmem:$0x18800] =	vst v63  }
0x90: {  	s31 =	rddreg [dreg:$0x17]  }
0x91: {  	[tilespmem:s10], [sflag:$0x4] =	stream.linear.gather [hbm4b:s31+s2], $0x60, $0x38;
	[tilespmem:$0x18800] =	vst v63  }
0x92: {  	s0 =	rddreg [dreg:$0x18]  }
0x93: {  	[tilespmem:s11], [sflag:$0x4] =	stream.linear.gather [hbm4b:s0+s2], $0x60, $0x38;
	[tilespmem:$0x18800] =	vst v63  }
0x94: {  	_ =	swait.ge [sflag:s26], $0xC000  }
0x95: {  	[sflag:s26] =	ssyncset.done $0x0  }
0x96: {  	[sflag:s26] =	ssyncadd.s32 $0xFFFF4000  }
0x97: {  	_ =	swait.ge [sflag:s22], $0x60  }
0x98: {  	[sflag:s22] =	ssyncset.done $0x0  }
0x99: {  	[sflag:s22] =	ssyncadd.s32 $0xFFFFFFA0  }
0x9a: {  	_ =	swait.ge [sflag:s22], $0x60  }
0x9b: {  	[sflag:s22] =	ssyncset.done $0x0  }
0x9c: {  	[sflag:s22] =	ssyncadd.s32 $0xFFFFFFA0  }
0x9d: {  	_ =	swait.ge [sflag:s22], $0x60  }
0x9e: {  	[sflag:s22] =	ssyncset.done $0x0  }
0x9f: {  	[sflag:s22] =	ssyncadd.s32 $0xFFFFFFA0  }
0xa0: {  	_ =	swait.ge [sflag:s22], $0x60  }
0xa1: {  	[sflag:s22] =	ssyncset.done $0x0  }
0xa2: {  	[sflag:s22] =	ssyncadd.s32 $0xFFFFFFA0  }
0xa3: {  	[spmem:s1] =	stream.indirect.scatter.add.f32 [tilespmem:s2], [sflag:$0x5], $0x80, s16, s12, $0xb8;
	[tilespmem:$0x18800] =	vst v63  }
0xa4: {  	_ = 	snop  }
0xa5: {  	[spmem:s1] =	stream.indirect.scatter.add.f32 [tilespmem:s23], [sflag:$0x5], $0x80, s17, s12, $0xb8;
	[tilespmem:$0x18800] =	vst v63  }
0xa6: {  	_ = 	snop  }
0xa7: {  	[spmem:s1] =	stream.indirect.scatter.add.f32 [tilespmem:s24], [sflag:$0x5], $0x80, s18, s12, $0xb8;
	[tilespmem:$0x18800] =	vst v63  }
0xa8: {  	_ = 	snop  }
0xa9: {  	[spmem:s1] =	stream.indirect.scatter.add.f32 [tilespmem:s25], [sflag:$0x5], $0x80, s19, s12, $0xb8;
	[tilespmem:$0x18800] =	vst v63  }
0xaa: {  	_ =	swait.ge [sflag:s21], $0xC000  }
0xab: {  	[sflag:s21] =	ssyncset.done $0x0  }
0xac: {  	[sflag:s21] =	ssyncadd.s32 $0xFFFF4000  }
0xad: {  	_ =	swait.ge [sflag:s15], $0x60  }
0xae: {  	[sflag:s15] =	ssyncset.done $0x0  }
0xaf: {  	[sflag:s15] =	ssyncadd.s32 $0xFFFFFFA0  }
0xb0: {  	_ =	swait.ge [sflag:s15], $0x60  }
0xb1: {  	[sflag:s15] =	ssyncset.done $0x0  }
0xb2: {  	[sflag:s15] =	ssyncadd.s32 $0xFFFFFFA0  }
0xb3: {  	_ =	swait.ge [sflag:s15], $0x60  }
0xb4: {  	[sflag:s15] =	ssyncset.done $0x0  }
0xb5: {  	[sflag:s15] =	ssyncadd.s32 $0xFFFFFFA0  }
0xb6: {  	_ =	swait.ge [sflag:s15], $0x60  }
0xb7: {  	[sflag:s15] =	ssyncset.done $0x0  }
0xb8: {  	[sflag:s15] =	ssyncadd.s32 $0xFFFFFFA0  }
0xb9: {  	[spmem:s1] =	stream.indirect.scatter.add.f32 [tilespmem:s7], [sflag:$0x6], $0x80, s8, s12, $0xb8;
	[tilespmem:$0x18800] =	vst v63  }
0xba: {  	_ = 	snop  }
0xbb: {  	[spmem:s1] =	stream.indirect.scatter.add.f32 [tilespmem:s30], [sflag:$0x6], $0x80, s9, s12, $0xb8;
	[tilespmem:$0x18800] =	vst v63  }
0xbc: {  	_ = 	snop  }
0xbd: {  	[spmem:s1] =	stream.indirect.scatter.add.f32 [tilespmem:s14], [sflag:$0x6], $0x80, s10, s12, $0xb8;
	[tilespmem:$0x18800] =	vst v63  }
0xbe: {  	_ = 	snop  }
0xbf: {  	[spmem:s1] =	stream.indirect.scatter.add.f32 [tilespmem:s20], [sflag:$0x6], $0x80, s11, s12, $0xb8;
	[tilespmem:$0x18800] =	vst v63  }
0xc0: {  	_ =	swait.ge [sflag:s6], $0x3000  }
0xc1: {  	[sflag:s6] =	ssyncset.done $0x0  }
0xc2: {  	[sflag:s6] =	ssyncadd.s32 $0xFFFFD000  }
0xc3: {  	_ =	swait.ge [sflag:s6], $0x3000  }
0xc4: {  	[sflag:s6] =	ssyncset.done $0x0  }
0xc5: {  	[sflag:s6] =	ssyncadd.s32 $0xFFFFD000  }
0xc6: {  	_ =	swait.ge [sflag:s6], $0x3000  }
0xc7: {  	[sflag:s6] =	ssyncset.done $0x0  }
0xc8: {  	[sflag:s6] =	ssyncadd.s32 $0xFFFFD000  }
0xc9: {  	_ =	swait.ge [sflag:s6], $0x3000  }
0xca: {  	[sflag:s6] =	ssyncset.done $0x0  }
0xcb: {  	[sflag:s6] =	ssyncadd.s32 $0xFFFFD000  }
0xcc: {  	_ =	swait.ge [sflag:s4], $0x3000  }
0xcd: {  	[sflag:s4] =	ssyncset.done $0x0  }
0xce: {  	[sflag:s4] =	ssyncadd.s32 $0xFFFFD000  }
0xcf: {  	_ =	swait.ge [sflag:s4], $0x3000  }
0xd0: {  	[sflag:s4] =	ssyncset.done $0x0  }
0xd1: {  	[sflag:s4] =	ssyncadd.s32 $0xFFFFD000  }
0xd2: {  	_ =	swait.ge [sflag:s4], $0x3000  }
0xd3: {  	[sflag:s4] =	ssyncset.done $0x0  }
0xd4: {  	s31 =	sadd.s32 $0xFFFFFFFF, s13;
	[sflag:s4] =	ssyncadd.s32 $0xFFFFD000  }
0xd5: {  	p1 =	por $0x1, $0x1;
	p2 =	sne.s32 s31, $0x0;
	_ =	swait.ge [sflag:s4], $0x3000  }
0xd6: {  	s0 =	simm.s32 @!p0 $0x1C07;
	s23 =	simm.s32 $0x15000;
	[sflag:s4] =	ssyncset.done $0x0  }
.Ltmp1:
0xd7: {  	s24 =	simm.s32 $0x3000;
	[sflag:s4] =	ssyncadd.s32 $0xFFFFD000;
	(pc) =	sbr.rel @!p2 .LBB2_3-.Ltmp1, $4  }
0xd8: {  	s25 =	simm.s32 $0x6000;
	s14 =	simm.s32 $0xF000;
	[bflag:$0x0] =	sbarrier.arrive $0xFFFF  }
0xd9: {  	[hbm:s3], [sflag:s0] =	dma.local @!p0 [spmem:s5], $0x800  }
0xda: {  	s20 =	simm.s32 $0x12000;
	_ =	swait.ge @!p0 [sflag:s29], $0x800;
	[dreg:$0x19] =	wrdreg s28  }
0xdb: {  	s28 =	simm.s32 $0x9000;
	s0 =	rddreg [dreg:$0x5];
	[sflag:s29] =	ssyncset.done @!p0 $0x0  }
.LBB2_4:
0xdc: {  	[sflag:s29] =	ssyncadd.s32 @!p0 $0xFFFFF800;
	s30 =	simm.s32 @!p0 $0x1C07  }
0xdd: {  	[spmem:s5], [sflag:s30] =	dma.local @!p0 [hbm:s0], $0x800  }
0xde: {  	_ =	swait.ge @!p0 [sflag:s29], $0x800  }
0xdf: {  	[sflag:s29] =	ssyncset.done @!p0 $0x0  }
0xe0: {  	[sflag:s29] =	ssyncadd.s32 @!p0 $0xFFFFF800  }
0xe1: {  	[bflag:$0x0] =	sbarrier.arrive $0xFFFF  }
0xe2: {  	s13 =	rddreg [dreg:$0x6]  }
0xe3: {  	[tilespmem:s2], [sflag:$0x1] =	stream.linear.gather [hbm4b:s13+s2], $0xC000, $0x38;
	[tilespmem:$0x18800] =	vst v63  }
0xe4: {  	s13 =	rddreg [dreg:$0x19]  }
0xe5: {  	[tilespmem:s16], [sflag:$0x3] =	stream.linear.gather [hbm4b:s13+s2], $0x60, $0x38;
	[tilespmem:$0x18800] =	vst v63  }
0xe6: {  	s0 =	rddreg [dreg:$0x7]  }
0xe7: {  	[tilespmem:s17], [sflag:$0x3] =	stream.linear.gather [hbm4b:s0+s2], $0x60, $0x38;
	[tilespmem:$0x18800] =	vst v63  }
0xe8: {  	s13 =	smov.u32 s3;
	s3 =	rddreg [dreg:$0x8]  }
0xe9: {  	[tilespmem:s18], [sflag:$0x3] =	stream.linear.gather [hbm4b:s3+s2], $0x60, $0x38;
	[tilespmem:$0x18800] =	vst v63  }
0xea: {  	s0 =	rddreg [dreg:$0x9]  }
0xeb: {  	[tilespmem:s19], [sflag:$0x3] =	stream.linear.gather [hbm4b:s0+s2], $0x60, $0x38;
	[tilespmem:$0x18800] =	vst v63  }
0xec: {  	s3 =	rddreg [dreg:$0xa]  }
0xed: {  	[tilespmem:s7], [sflag:$0x2] =	stream.linear.gather [hbm4b:s3+s2], $0xC000, $0x38;
	[tilespmem:$0x18800] =	vst v63  }
0xee: {  	s0 =	rddreg [dreg:$0xb]  }
0xef: {  	[tilespmem:s8], [sflag:$0x4] =	stream.linear.gather [hbm4b:s0+s2], $0x60, $0x38;
	[tilespmem:$0x18800] =	vst v63  }
0xf0: {  	s3 =	rddreg [dreg:$0xc]  }
0xf1: {  	[tilespmem:s9], [sflag:$0x4] =	stream.linear.gather [hbm4b:s3+s2], $0x60, $0x38;
	[tilespmem:$0x18800] =	vst v63  }
0xf2: {  	s0 =	rddreg [dreg:$0xd]  }
0xf3: {  	[tilespmem:s10], [sflag:$0x4] =	stream.linear.gather [hbm4b:s0+s2], $0x60, $0x38;
	[tilespmem:$0x18800] =	vst v63  }
0xf4: {  	s3 =	rddreg [dreg:$0xe]  }
0xf5: {  	[tilespmem:s11], [sflag:$0x4] =	stream.linear.gather [hbm4b:s3+s2], $0x60, $0x38;
	[tilespmem:$0x18800] =	vst v63  }
0xf6: {  	_ =	swait.ge [sflag:s26], $0xC000  }
0xf7: {  	[sflag:s26] =	ssyncset.done $0x0  }
0xf8: {  	[sflag:s26] =	ssyncadd.s32 $0xFFFF4000  }
0xf9: {  	_ =	swait.ge [sflag:s22], $0x60  }
0xfa: {  	[sflag:s22] =	ssyncset.done $0x0  }
0xfb: {  	[sflag:s22] =	ssyncadd.s32 $0xFFFFFFA0  }
0xfc: {  	_ =	swait.ge [sflag:s22], $0x60  }
0xfd: {  	[sflag:s22] =	ssyncset.done $0x0  }
0xfe: {  	[sflag:s22] =	ssyncadd.s32 $0xFFFFFFA0  }
0xff: {  	_ =	swait.ge [sflag:s22], $0x60  }
0x100: {  	[sflag:s22] =	ssyncset.done $0x0  }
0x101: {  	[sflag:s22] =	ssyncadd.s32 $0xFFFFFFA0  }
0x102: {  	_ =	swait.ge [sflag:s22], $0x60  }
0x103: {  	[sflag:s22] =	ssyncset.done $0x0  }
0x104: {  	[sflag:s22] =	ssyncadd.s32 $0xFFFFFFA0  }
0x105: {  	[spmem:s1] =	stream.indirect.scatter.add.f32 [tilespmem:s2], [sflag:$0x5], $0x80, s16, s12, $0xb8;
	[tilespmem:$0x18800] =	vst v63  }
0x106: {  	_ = 	snop  }
0x107: {  	[spmem:s1] =	stream.indirect.scatter.add.f32 [tilespmem:s24], [sflag:$0x5], $0x80, s17, s12, $0xb8;
	[tilespmem:$0x18800] =	vst v63  }
0x108: {  	_ = 	snop  }
0x109: {  	[spmem:s1] =	stream.indirect.scatter.add.f32 [tilespmem:s25], [sflag:$0x5], $0x80, s18, s12, $0xb8;
	[tilespmem:$0x18800] =	vst v63  }
0x10a: {  	_ = 	snop  }
0x10b: {  	[spmem:s1] =	stream.indirect.scatter.add.f32 [tilespmem:s28], [sflag:$0x5], $0x80, s19, s12, $0xb8;
	[tilespmem:$0x18800] =	vst v63  }
0x10c: {  	_ =	swait.ge [sflag:s6], $0x3000  }
0x10d: {  	[sflag:s6] =	ssyncset.done $0x0  }
0x10e: {  	[sflag:s6] =	ssyncadd.s32 $0xFFFFD000  }
0x10f: {  	_ =	swait.ge [sflag:s6], $0x3000  }
0x110: {  	[sflag:s6] =	ssyncset.done $0x0  }
0x111: {  	[sflag:s6] =	ssyncadd.s32 $0xFFFFD000  }
0x112: {  	_ =	swait.ge [sflag:s6], $0x3000  }
0x113: {  	[sflag:s6] =	ssyncset.done $0x0  }
0x114: {  	[sflag:s6] =	ssyncadd.s32 $0xFFFFD000  }
0x115: {  	_ =	swait.ge [sflag:s6], $0x3000  }
0x116: {  	[sflag:s6] =	ssyncset.done $0x0  }
0x117: {  	s0 =	rddreg [dreg:$0xf];
	[sflag:s6] =	ssyncadd.s32 $0xFFFFD000  }
0x118: {  	[tilespmem:s2], [sflag:$0x1] =	stream.linear.gather [hbm4b:s0+s2], $0xC000, $0x38;
	[tilespmem:$0x18800] =	vst v63  }
0x119: {  	s3 =	rddreg [dreg:$0x10]  }
0x11a: {  	[tilespmem:s16], [sflag:$0x3] =	stream.linear.gather [hbm4b:s3+s2], $0x60, $0x38;
	[tilespmem:$0x18800] =	vst v63  }
0x11b: {  	s0 =	rddreg [dreg:$0x11]  }
0x11c: {  	[tilespmem:s17], [sflag:$0x3] =	stream.linear.gather [hbm4b:s0+s2], $0x60, $0x38;
	[tilespmem:$0x18800] =	vst v63  }
0x11d: {  	s3 =	rddreg [dreg:$0x12]  }
0x11e: {  	[tilespmem:s18], [sflag:$0x3] =	stream.linear.gather [hbm4b:s3+s2], $0x60, $0x38;
	[tilespmem:$0x18800] =	vst v63  }
0x11f: {  	s0 =	rddreg [dreg:$0x13]  }
0x120: {  	[tilespmem:s19], [sflag:$0x3] =	stream.linear.gather [hbm4b:s0+s2], $0x60, $0x38;
	[tilespmem:$0x18800] =	vst v63  }
0x121: {  	_ =	swait.ge [sflag:s21], $0xC000  }
0x122: {  	[sflag:s21] =	ssyncset.done $0x0  }
0x123: {  	[sflag:s21] =	ssyncadd.s32 $0xFFFF4000  }
0x124: {  	_ =	swait.ge [sflag:s15], $0x60  }
0x125: {  	[sflag:s15] =	ssyncset.done $0x0  }
0x126: {  	[sflag:s15] =	ssyncadd.s32 $0xFFFFFFA0  }
0x127: {  	_ =	swait.ge [sflag:s15], $0x60  }
0x128: {  	[sflag:s15] =	ssyncset.done $0x0  }
0x129: {  	[sflag:s15] =	ssyncadd.s32 $0xFFFFFFA0  }
0x12a: {  	_ =	swait.ge [sflag:s15], $0x60  }
0x12b: {  	[sflag:s15] =	ssyncset.done $0x0  }
0x12c: {  	[sflag:s15] =	ssyncadd.s32 $0xFFFFFFA0  }
0x12d: {  	_ =	swait.ge [sflag:s15], $0x60  }
0x12e: {  	[sflag:s15] =	ssyncset.done $0x0  }
0x12f: {  	[sflag:s15] =	ssyncadd.s32 $0xFFFFFFA0  }
0x130: {  	[spmem:s1] =	stream.indirect.scatter.add.f32 [tilespmem:s7], [sflag:$0x6], $0x80, s8, s12, $0xb8;
	[tilespmem:$0x18800] =	vst v63  }
0x131: {  	_ = 	snop  }
0x132: {  	[spmem:s1] =	stream.indirect.scatter.add.f32 [tilespmem:s14], [sflag:$0x6], $0x80, s9, s12, $0xb8;
	[tilespmem:$0x18800] =	vst v63  }
0x133: {  	_ = 	snop  }
0x134: {  	[spmem:s1] =	stream.indirect.scatter.add.f32 [tilespmem:s20], [sflag:$0x6], $0x80, s10, s12, $0xb8;
	[tilespmem:$0x18800] =	vst v63  }
0x135: {  	_ = 	snop  }
0x136: {  	[spmem:s1] =	stream.indirect.scatter.add.f32 [tilespmem:s23], [sflag:$0x6], $0x80, s11, s12, $0xb8;
	[tilespmem:$0x18800] =	vst v63  }
0x137: {  	_ =	swait.ge [sflag:s4], $0x3000  }
0x138: {  	[sflag:s4] =	ssyncset.done $0x0  }
0x139: {  	[sflag:s4] =	ssyncadd.s32 $0xFFFFD000  }
0x13a: {  	_ =	swait.ge [sflag:s4], $0x3000  }
0x13b: {  	[sflag:s4] =	ssyncset.done $0x0  }
0x13c: {  	[sflag:s4] =	ssyncadd.s32 $0xFFFFD000  }
0x13d: {  	_ =	swait.ge [sflag:s4], $0x3000  }
0x13e: {  	[sflag:s4] =	ssyncset.done $0x0  }
0x13f: {  	[sflag:s4] =	ssyncadd.s32 $0xFFFFD000  }
0x140: {  	_ =	swait.ge [sflag:s4], $0x3000  }
0x141: {  	[sflag:s4] =	ssyncset.done $0x0  }
0x142: {  	s0 =	rddreg [dreg:$0x14];
	[sflag:s4] =	ssyncadd.s32 $0xFFFFD000  }
0x143: {  	[tilespmem:s7], [sflag:$0x2] =	stream.linear.gather [hbm4b:s0+s2], $0xC000, $0x38;
	[tilespmem:$0x18800] =	vst v63  }
0x144: {  	s3 =	rddreg [dreg:$0x15]  }
0x145: {  	[tilespmem:s8], [sflag:$0x4] =	stream.linear.gather [hbm4b:s3+s2], $0x60, $0x38;
	[tilespmem:$0x18800] =	vst v63  }
0x146: {  	s0 =	rddreg [dreg:$0x16]  }
0x147: {  	[tilespmem:s9], [sflag:$0x4] =	stream.linear.gather [hbm4b:s0+s2], $0x60, $0x38;
	[tilespmem:$0x18800] =	vst v63  }
0x148: {  	s3 =	rddreg [dreg:$0x17]  }
0x149: {  	[tilespmem:s10], [sflag:$0x4] =	stream.linear.gather [hbm4b:s3+s2], $0x60, $0x38;
	[tilespmem:$0x18800] =	vst v63  }
0x14a: {  	s0 =	rddreg [dreg:$0x18]  }
0x14b: {  	[tilespmem:s11], [sflag:$0x4] =	stream.linear.gather [hbm4b:s0+s2], $0x60, $0x38;
	[tilespmem:$0x18800] =	vst v63  }
0x14c: {  	_ =	swait.ge [sflag:s26], $0xC000  }
0x14d: {  	[sflag:s26] =	ssyncset.done $0x0  }
0x14e: {  	[sflag:s26] =	ssyncadd.s32 $0xFFFF4000  }
0x14f: {  	_ =	swait.ge [sflag:s22], $0x60  }
0x150: {  	[sflag:s22] =	ssyncset.done $0x0  }
0x151: {  	[sflag:s22] =	ssyncadd.s32 $0xFFFFFFA0  }
0x152: {  	_ =	swait.ge [sflag:s22], $0x60  }
0x153: {  	[sflag:s22] =	ssyncset.done $0x0  }
0x154: {  	[sflag:s22] =	ssyncadd.s32 $0xFFFFFFA0  }
0x155: {  	_ =	swait.ge [sflag:s22], $0x60  }
0x156: {  	[sflag:s22] =	ssyncset.done $0x0  }
0x157: {  	[sflag:s22] =	ssyncadd.s32 $0xFFFFFFA0  }
0x158: {  	_ =	swait.ge [sflag:s22], $0x60  }
0x159: {  	[sflag:s22] =	ssyncset.done $0x0  }
0x15a: {  	[sflag:s22] =	ssyncadd.s32 $0xFFFFFFA0  }
0x15b: {  	[spmem:s1] =	stream.indirect.scatter.add.f32 [tilespmem:s2], [sflag:$0x5], $0x80, s16, s12, $0xb8;
	[tilespmem:$0x18800] =	vst v63  }
0x15c: {  	_ = 	snop  }
0x15d: {  	[spmem:s1] =	stream.indirect.scatter.add.f32 [tilespmem:s24], [sflag:$0x5], $0x80, s17, s12, $0xb8;
	[tilespmem:$0x18800] =	vst v63  }
0x15e: {  	_ = 	snop  }
0x15f: {  	[spmem:s1] =	stream.indirect.scatter.add.f32 [tilespmem:s25], [sflag:$0x5], $0x80, s18, s12, $0xb8;
	[tilespmem:$0x18800] =	vst v63  }
0x160: {  	_ = 	snop  }
0x161: {  	[spmem:s1] =	stream.indirect.scatter.add.f32 [tilespmem:s28], [sflag:$0x5], $0x80, s19, s12, $0xb8;
	[tilespmem:$0x18800] =	vst v63  }
0x162: {  	_ =	swait.ge [sflag:s21], $0xC000  }
0x163: {  	[sflag:s21] =	ssyncset.done $0x0  }
0x164: {  	[sflag:s21] =	ssyncadd.s32 $0xFFFF4000  }
0x165: {  	_ =	swait.ge [sflag:s15], $0x60  }
0x166: {  	[sflag:s15] =	ssyncset.done $0x0  }
0x167: {  	[sflag:s15] =	ssyncadd.s32 $0xFFFFFFA0  }
0x168: {  	_ =	swait.ge [sflag:s15], $0x60  }
0x169: {  	[sflag:s15] =	ssyncset.done $0x0  }
0x16a: {  	[sflag:s15] =	ssyncadd.s32 $0xFFFFFFA0  }
0x16b: {  	_ =	swait.ge [sflag:s15], $0x60  }
0x16c: {  	[sflag:s15] =	ssyncset.done $0x0  }
0x16d: {  	[sflag:s15] =	ssyncadd.s32 $0xFFFFFFA0  }
0x16e: {  	_ =	swait.ge [sflag:s15], $0x60  }
0x16f: {  	[sflag:s15] =	ssyncset.done $0x0  }
0x170: {  	[sflag:s15] =	ssyncadd.s32 $0xFFFFFFA0  }
0x171: {  	[spmem:s1] =	stream.indirect.scatter.add.f32 [tilespmem:s7], [sflag:$0x6], $0x80, s8, s12, $0xb8;
	[tilespmem:$0x18800] =	vst v63  }
0x172: {  	_ = 	snop  }
0x173: {  	[spmem:s1] =	stream.indirect.scatter.add.f32 [tilespmem:s14], [sflag:$0x6], $0x80, s9, s12, $0xb8;
	[tilespmem:$0x18800] =	vst v63  }
0x174: {  	_ = 	snop  }
0x175: {  	[spmem:s1] =	stream.indirect.scatter.add.f32 [tilespmem:s20], [sflag:$0x6], $0x80, s10, s12, $0xb8;
	[tilespmem:$0x18800] =	vst v63  }
0x176: {  	_ = 	snop  }
0x177: {  	[spmem:s1] =	stream.indirect.scatter.add.f32 [tilespmem:s23], [sflag:$0x6], $0x80, s11, s12, $0xb8;
	[tilespmem:$0x18800] =	vst v63  }
0x178: {  	_ =	swait.ge [sflag:s6], $0x3000  }
0x179: {  	[sflag:s6] =	ssyncset.done $0x0  }
0x17a: {  	[sflag:s6] =	ssyncadd.s32 $0xFFFFD000  }
0x17b: {  	_ =	swait.ge [sflag:s6], $0x3000  }
0x17c: {  	[sflag:s6] =	ssyncset.done $0x0  }
0x17d: {  	[sflag:s6] =	ssyncadd.s32 $0xFFFFD000  }
0x17e: {  	_ =	swait.ge [sflag:s6], $0x3000  }
0x17f: {  	[sflag:s6] =	ssyncset.done $0x0  }
0x180: {  	[sflag:s6] =	ssyncadd.s32 $0xFFFFD000  }
0x181: {  	_ =	swait.ge [sflag:s6], $0x3000  }
0x182: {  	[sflag:s6] =	ssyncset.done $0x0  }
0x183: {  	[sflag:s6] =	ssyncadd.s32 $0xFFFFD000  }
0x184: {  	_ =	swait.ge [sflag:s4], $0x3000  }
0x185: {  	[sflag:s4] =	ssyncset.done $0x0  }
0x186: {  	[sflag:s4] =	ssyncadd.s32 $0xFFFFD000  }
0x187: {  	_ =	swait.ge [sflag:s4], $0x3000  }
0x188: {  	[sflag:s4] =	ssyncset.done $0x0  }
0x189: {  	[sflag:s4] =	ssyncadd.s32 $0xFFFFD000  }
0x18a: {  	_ =	swait.ge [sflag:s4], $0x3000  }
0x18b: {  	[sflag:s4] =	ssyncset.done $0x0  }
0x18c: {  	[sflag:s4] =	ssyncadd.s32 $0xFFFFD000  }
0x18d: {  	s31 =	sadd.s32 $0xFFFFFFFF, s31;
	_ =	swait.ge [sflag:s4], $0x3000  }
0x18e: {  	p2 =	sne.s32 s31, $0x0;
	[sflag:s4] =	ssyncset.done $0x0  }
.Ltmp2:
0x18f: {  	[sflag:s4] =	ssyncadd.s32 $0xFFFFD000;
	(pc) =	sbr.rel @p2 .LBB2_4-.Ltmp2, $4  }
0x190: {  	[bflag:$0x0] =	sbarrier.arrive $0xFFFF  }
0x191: {  	[hbm:s13], [sflag:s30] =	dma.local @!p0 [spmem:s5], $0x800  }
0x192: {  	_ =	swait.ge @!p0 [sflag:s29], $0x800  }
0x193: {  	s3 =	smov.u32 s13;
	s0 =	rddreg [dreg:$0x5];
	[sflag:s29] =	ssyncset.done @!p0 $0x0  }
0x194: {  	s31 =	rddreg [dreg:$0x4];
	s23 =	simm.s32 $0x3000  }
0x195: {  	s24 =	simm.s32 $0x6000;
	s25 =	simm.s32 $0x9000;
	s28 =	rddreg [dreg:$0x19]  }
.LBB2_6:
0x196: {  	p1 =	por p0, !p1  }
0x197: {  	s30 =	simm.s32 @!p0 $0x1C07;
	[sflag:s29] =	ssyncadd.s32 @!p1 $0xFFFFF800;
	s29 =	simm.s32 @!p0 $0x7  }
0x198: {  	[spmem:s5], [sflag:s30] =	dma.local @!p0 [hbm:s0], $0x800  }
0x199: {  	_ =	swait.ge @!p0 [sflag:s29], $0x800  }
0x19a: {  	[sflag:s29] =	ssyncset.done @!p0 $0x0  }
0x19b: {  	[sflag:s29] =	ssyncadd.s32 @!p0 $0xFFFFF800  }
0x19c: {  	[bflag:$0x0] =	sbarrier.arrive $0xFFFF  }
0x19d: {  	s3 =	rddreg [dreg:$0x6]  }
0x19e: {  	[tilespmem:s2], [sflag:$0x1] =	stream.linear.gather [hbm4b:s3+s2], $0xC000, $0x38;
	[tilespmem:$0x18800] =	vst v63  }
0x19f: {  	_ = 	snop  }
0x1a0: {  	[tilespmem:s16], [sflag:$0x3] =	stream.linear.gather [hbm4b:s28+s2], $0x60, $0x38;
	[tilespmem:$0x18800] =	vst v63  }
0x1a1: {  	s14 =	rddreg [dreg:$0x7]  }
0x1a2: {  	[tilespmem:s17], [sflag:$0x3] =	stream.linear.gather [hbm4b:s14+s2], $0x60, $0x38;
	[tilespmem:$0x18800] =	vst v63  }
0x1a3: {  	s3 =	rddreg [dreg:$0x8]  }
0x1a4: {  	[tilespmem:s18], [sflag:$0x3] =	stream.linear.gather [hbm4b:s3+s2], $0x60, $0x38;
	[tilespmem:$0x18800] =	vst v63  }
0x1a5: {  	s20 =	rddreg [dreg:$0x9]  }
0x1a6: {  	[tilespmem:s19], [sflag:$0x3] =	stream.linear.gather [hbm4b:s20+s2], $0x60, $0x38;
	[tilespmem:$0x18800] =	vst v63  }
0x1a7: {  	s28 =	rddreg [dreg:$0xa]  }
0x1a8: {  	[tilespmem:s7], [sflag:$0x2] =	stream.linear.gather [hbm4b:s28+s2], $0xC000, $0x38;
	[tilespmem:$0x18800] =	vst v63  }
0x1a9: {  	s14 =	rddreg [dreg:$0xb]  }
0x1aa: {  	[tilespmem:s8], [sflag:$0x4] =	stream.linear.gather [hbm4b:s14+s2], $0x60, $0x38;
	[tilespmem:$0x18800] =	vst v63  }
0x1ab: {  	s20 =	rddreg [dreg:$0xc]  }
0x1ac: {  	[tilespmem:s9], [sflag:$0x4] =	stream.linear.gather [hbm4b:s20+s2], $0x60, $0x38;
	[tilespmem:$0x18800] =	vst v63  }
0x1ad: {  	s28 =	rddreg [dreg:$0xd]  }
0x1ae: {  	[tilespmem:s10], [sflag:$0x4] =	stream.linear.gather [hbm4b:s28+s2], $0x60, $0x38;
	[tilespmem:$0x18800] =	vst v63  }
0x1af: {  	s14 =	rddreg [dreg:$0xe]  }
0x1b0: {  	[tilespmem:s11], [sflag:$0x4] =	stream.linear.gather [hbm4b:s14+s2], $0x60, $0x38;
	[tilespmem:$0x18800] =	vst v63  }
0x1b1: {  	_ =	swait.ge [sflag:s26], $0xC000  }
0x1b2: {  	[sflag:s26] =	ssyncset.done $0x0  }
0x1b3: {  	[sflag:s26] =	ssyncadd.s32 $0xFFFF4000  }
0x1b4: {  	_ =	swait.ge [sflag:s22], $0x60  }
0x1b5: {  	[sflag:s22] =	ssyncset.done $0x0  }
0x1b6: {  	[sflag:s22] =	ssyncadd.s32 $0xFFFFFFA0  }
0x1b7: {  	_ =	swait.ge [sflag:s22], $0x60  }
0x1b8: {  	[sflag:s22] =	ssyncset.done $0x0  }
0x1b9: {  	[sflag:s22] =	ssyncadd.s32 $0xFFFFFFA0  }
0x1ba: {  	_ =	swait.ge [sflag:s22], $0x60  }
0x1bb: {  	[sflag:s22] =	ssyncset.done $0x0  }
0x1bc: {  	[sflag:s22] =	ssyncadd.s32 $0xFFFFFFA0  }
0x1bd: {  	_ =	swait.ge [sflag:s22], $0x60  }
0x1be: {  	[sflag:s22] =	ssyncset.done $0x0  }
0x1bf: {  	[sflag:s22] =	ssyncadd.s32 $0xFFFFFFA0  }
0x1c0: {  	[spmem:s1] =	stream.indirect.scatter.add.f32 [tilespmem:s2], [sflag:$0x5], $0x80, s16, s12, $0xb8;
	[tilespmem:$0x18800] =	vst v63  }
0x1c1: {  	_ = 	snop  }
0x1c2: {  	[spmem:s1] =	stream.indirect.scatter.add.f32 [tilespmem:s23], [sflag:$0x5], $0x80, s17, s12, $0xb8;
	[tilespmem:$0x18800] =	vst v63  }
0x1c3: {  	_ = 	snop  }
0x1c4: {  	[spmem:s1] =	stream.indirect.scatter.add.f32 [tilespmem:s24], [sflag:$0x5], $0x80, s18, s12, $0xb8;
	[tilespmem:$0x18800] =	vst v63  }
0x1c5: {  	_ = 	snop  }
0x1c6: {  	[spmem:s1] =	stream.indirect.scatter.add.f32 [tilespmem:s25], [sflag:$0x5], $0x80, s19, s12, $0xb8;
	[tilespmem:$0x18800] =	vst v63  }
0x1c7: {  	_ =	swait.ge [sflag:s6], $0x3000  }
0x1c8: {  	[sflag:s6] =	ssyncset.done $0x0  }
0x1c9: {  	[sflag:s6] =	ssyncadd.s32 $0xFFFFD000  }
0x1ca: {  	_ =	swait.ge [sflag:s6], $0x3000  }
0x1cb: {  	[sflag:s6] =	ssyncset.done $0x0  }
0x1cc: {  	[sflag:s6] =	ssyncadd.s32 $0xFFFFD000  }
0x1cd: {  	_ =	swait.ge [sflag:s6], $0x3000  }
0x1ce: {  	[sflag:s6] =	ssyncset.done $0x0  }
0x1cf: {  	[sflag:s6] =	ssyncadd.s32 $0xFFFFD000  }
0x1d0: {  	_ =	swait.ge [sflag:s6], $0x3000  }
0x1d1: {  	[sflag:s6] =	ssyncset.done $0x0  }
0x1d2: {  	s20 =	rddreg [dreg:$0xf];
	[sflag:s6] =	ssyncadd.s32 $0xFFFFD000  }
0x1d3: {  	[tilespmem:s2], [sflag:$0x1] =	stream.linear.gather [hbm4b:s20+s2], $0xC000, $0x38;
	[tilespmem:$0x18800] =	vst v63  }
0x1d4: {  	s23 =	rddreg [dreg:$0x10]  }
0x1d5: {  	[tilespmem:s16], [sflag:$0x3] =	stream.linear.gather [hbm4b:s23+s2], $0x60, $0x38;
	[tilespmem:$0x18800] =	vst v63  }
0x1d6: {  	s24 =	rddreg [dreg:$0x11]  }
0x1d7: {  	[tilespmem:s17], [sflag:$0x3] =	stream.linear.gather [hbm4b:s24+s2], $0x60, $0x38;
	[tilespmem:$0x18800] =	vst v63  }
0x1d8: {  	s25 =	rddreg [dreg:$0x12]  }
0x1d9: {  	[tilespmem:s18], [sflag:$0x3] =	stream.linear.gather [hbm4b:s25+s2], $0x60, $0x38;
	[tilespmem:$0x18800] =	vst v63  }
0x1da: {  	s28 =	rddreg [dreg:$0x13]  }
0x1db: {  	[tilespmem:s19], [sflag:$0x3] =	stream.linear.gather [hbm4b:s28+s2], $0x60, $0x38;
	[tilespmem:$0x18800] =	vst v63  }
0x1dc: {  	_ =	swait.ge [sflag:s21], $0xC000  }
0x1dd: {  	[sflag:s21] =	ssyncset.done $0x0  }
0x1de: {  	[sflag:s21] =	ssyncadd.s32 $0xFFFF4000  }
0x1df: {  	_ =	swait.ge [sflag:s15], $0x60  }
0x1e0: {  	[sflag:s15] =	ssyncset.done $0x0  }
0x1e1: {  	[sflag:s15] =	ssyncadd.s32 $0xFFFFFFA0  }
0x1e2: {  	_ =	swait.ge [sflag:s15], $0x60  }
0x1e3: {  	[sflag:s15] =	ssyncset.done $0x0  }
0x1e4: {  	[sflag:s15] =	ssyncadd.s32 $0xFFFFFFA0  }
0x1e5: {  	_ =	swait.ge [sflag:s15], $0x60  }
0x1e6: {  	[sflag:s15] =	ssyncset.done $0x0  }
0x1e7: {  	[sflag:s15] =	ssyncadd.s32 $0xFFFFFFA0  }
0x1e8: {  	_ =	swait.ge [sflag:s15], $0x60  }
0x1e9: {  	[sflag:s15] =	ssyncset.done $0x0  }
0x1ea: {  	[sflag:s15] =	ssyncadd.s32 $0xFFFFFFA0  }
0x1eb: {  	[spmem:s1] =	stream.indirect.scatter.add.f32 [tilespmem:s7], [sflag:$0x6], $0x80, s8, s12, $0xb8;
	[tilespmem:$0x18800] =	vst v63  }
0x1ec: {  	s14 =	simm.s32 $0xF000  }
0x1ed: {  	[spmem:s1] =	stream.indirect.scatter.add.f32 [tilespmem:s14], [sflag:$0x6], $0x80, s9, s12, $0xb8;
	[tilespmem:$0x18800] =	vst v63  }
0x1ee: {  	s20 =	simm.s32 $0x12000  }
0x1ef: {  	[spmem:s1] =	stream.indirect.scatter.add.f32 [tilespmem:s20], [sflag:$0x6], $0x80, s10, s12, $0xb8;
	[tilespmem:$0x18800] =	vst v63  }
0x1f0: {  	s23 =	simm.s32 $0x15000  }
0x1f1: {  	[spmem:s1] =	stream.indirect.scatter.add.f32 [tilespmem:s23], [sflag:$0x6], $0x80, s11, s12, $0xb8;
	[tilespmem:$0x18800] =	vst v63  }
0x1f2: {  	_ =	swait.ge [sflag:s4], $0x3000  }
0x1f3: {  	[sflag:s4] =	ssyncset.done $0x0  }
0x1f4: {  	[sflag:s4] =	ssyncadd.s32 $0xFFFFD000  }
0x1f5: {  	_ =	swait.ge [sflag:s4], $0x3000  }
0x1f6: {  	[sflag:s4] =	ssyncset.done $0x0  }
0x1f7: {  	[sflag:s4] =	ssyncadd.s32 $0xFFFFD000  }
0x1f8: {  	_ =	swait.ge [sflag:s4], $0x3000  }
0x1f9: {  	[sflag:s4] =	ssyncset.done $0x0  }
0x1fa: {  	[sflag:s4] =	ssyncadd.s32 $0xFFFFD000  }
0x1fb: {  	_ =	swait.ge [sflag:s4], $0x3000  }
0x1fc: {  	[sflag:s4] =	ssyncset.done $0x0  }
0x1fd: {  	s0 =	rddreg [dreg:$0x14];
	[sflag:s4] =	ssyncadd.s32 $0xFFFFD000  }
0x1fe: {  	[tilespmem:s7], [sflag:$0x2] =	stream.linear.gather [hbm4b:s0+s2], $0xC000, $0x38;
	[tilespmem:$0x18800] =	vst v63  }
0x1ff: {  	s3 =	rddreg [dreg:$0x15]  }
0x200: {  	[tilespmem:s8], [sflag:$0x4] =	stream.linear.gather [hbm4b:s3+s2], $0x60, $0x38;
	[tilespmem:$0x18800] =	vst v63  }
0x201: {  	s0 =	rddreg [dreg:$0x16]  }
0x202: {  	[tilespmem:s9], [sflag:$0x4] =	stream.linear.gather [hbm4b:s0+s2], $0x60, $0x38;
	[tilespmem:$0x18800] =	vst v63  }
0x203: {  	s3 =	rddreg [dreg:$0x17]  }
0x204: {  	[tilespmem:s10], [sflag:$0x4] =	stream.linear.gather [hbm4b:s3+s2], $0x60, $0x38;
	[tilespmem:$0x18800] =	vst v63  }
0x205: {  	s0 =	rddreg [dreg:$0x18]  }
0x206: {  	[tilespmem:s11], [sflag:$0x4] =	stream.linear.gather [hbm4b:s0+s2], $0x60, $0x38;
	[tilespmem:$0x18800] =	vst v63  }
0x207: {  	_ =	swait.ge [sflag:s26], $0xC000  }
0x208: {  	[sflag:s26] =	ssyncset.done $0x0  }
0x209: {  	[sflag:s26] =	ssyncadd.s32 $0xFFFF4000  }
0x20a: {  	_ =	swait.ge [sflag:s22], $0x60  }
0x20b: {  	[sflag:s22] =	ssyncset.done $0x0  }
0x20c: {  	[sflag:s22] =	ssyncadd.s32 $0xFFFFFFA0  }
0x20d: {  	_ =	swait.ge [sflag:s22], $0x60  }
0x20e: {  	[sflag:s22] =	ssyncset.done $0x0  }
0x20f: {  	[sflag:s22] =	ssyncadd.s32 $0xFFFFFFA0  }
0x210: {  	_ =	swait.ge [sflag:s22], $0x60  }
0x211: {  	[sflag:s22] =	ssyncset.done $0x0  }
0x212: {  	[sflag:s22] =	ssyncadd.s32 $0xFFFFFFA0  }
0x213: {  	_ =	swait.ge [sflag:s22], $0x60  }
0x214: {  	[sflag:s22] =	ssyncset.done $0x0  }
0x215: {  	[sflag:s22] =	ssyncadd.s32 $0xFFFFFFA0  }
0x216: {  	[spmem:s1] =	stream.indirect.scatter.add.f32 [tilespmem:s2], [sflag:$0x5], $0x80, s16, s12, $0xb8;
	[tilespmem:$0x18800] =	vst v63  }
0x217: {  	s24 =	simm.s32 $0x3000  }
0x218: {  	[spmem:s1] =	stream.indirect.scatter.add.f32 [tilespmem:s24], [sflag:$0x5], $0x80, s17, s12, $0xb8;
	[tilespmem:$0x18800] =	vst v63  }
0x219: {  	s25 =	simm.s32 $0x6000  }
0x21a: {  	[spmem:s1] =	stream.indirect.scatter.add.f32 [tilespmem:s25], [sflag:$0x5], $0x80, s18, s12, $0xb8;
	[tilespmem:$0x18800] =	vst v63  }
0x21b: {  	s28 =	simm.s32 $0x9000  }
0x21c: {  	[spmem:s1] =	stream.indirect.scatter.add.f32 [tilespmem:s28], [sflag:$0x5], $0x80, s19, s12, $0xb8;
	[tilespmem:$0x18800] =	vst v63  }
0x21d: {  	_ =	swait.ge [sflag:s21], $0xC000  }
0x21e: {  	[sflag:s21] =	ssyncset.done $0x0  }
0x21f: {  	[sflag:s21] =	ssyncadd.s32 $0xFFFF4000  }
0x220: {  	_ =	swait.ge [sflag:s15], $0x60  }
0x221: {  	[sflag:s15] =	ssyncset.done $0x0  }
0x222: {  	[sflag:s15] =	ssyncadd.s32 $0xFFFFFFA0  }
0x223: {  	_ =	swait.ge [sflag:s15], $0x60  }
0x224: {  	[sflag:s15] =	ssyncset.done $0x0  }
0x225: {  	[sflag:s15] =	ssyncadd.s32 $0xFFFFFFA0  }
0x226: {  	_ =	swait.ge [sflag:s15], $0x60  }
0x227: {  	[sflag:s15] =	ssyncset.done $0x0  }
0x228: {  	[sflag:s15] =	ssyncadd.s32 $0xFFFFFFA0  }
0x229: {  	_ =	swait.ge [sflag:s15], $0x60  }
0x22a: {  	[sflag:s15] =	ssyncset.done $0x0  }
0x22b: {  	[sflag:s15] =	ssyncadd.s32 $0xFFFFFFA0  }
0x22c: {  	[spmem:s1] =	stream.indirect.scatter.add.f32 [tilespmem:s7], [sflag:$0x6], $0x80, s8, s12, $0xb8;
	[tilespmem:$0x18800] =	vst v63  }
0x22d: {  	_ = 	snop  }
0x22e: {  	[spmem:s1] =	stream.indirect.scatter.add.f32 [tilespmem:s14], [sflag:$0x6], $0x80, s9, s12, $0xb8;
	[tilespmem:$0x18800] =	vst v63  }
0x22f: {  	_ = 	snop  }
0x230: {  	[spmem:s1] =	stream.indirect.scatter.add.f32 [tilespmem:s20], [sflag:$0x6], $0x80, s10, s12, $0xb8;
	[tilespmem:$0x18800] =	vst v63  }
0x231: {  	_ = 	snop  }
0x232: {  	[spmem:s1] =	stream.indirect.scatter.add.f32 [tilespmem:s23], [sflag:$0x6], $0x80, s11, s12, $0xb8;
	[tilespmem:$0x18800] =	vst v63  }
0x233: {  	_ =	swait.ge [sflag:s6], $0x3000  }
0x234: {  	[sflag:s6] =	ssyncset.done $0x0  }
0x235: {  	[sflag:s6] =	ssyncadd.s32 $0xFFFFD000  }
0x236: {  	_ =	swait.ge [sflag:s6], $0x3000  }
0x237: {  	[sflag:s6] =	ssyncset.done $0x0  }
0x238: {  	[sflag:s6] =	ssyncadd.s32 $0xFFFFD000  }
0x239: {  	_ =	swait.ge [sflag:s6], $0x3000  }
0x23a: {  	[sflag:s6] =	ssyncset.done $0x0  }
0x23b: {  	[sflag:s6] =	ssyncadd.s32 $0xFFFFD000  }
0x23c: {  	_ =	swait.ge [sflag:s6], $0x3000  }
0x23d: {  	[sflag:s6] =	ssyncset.done $0x0  }
0x23e: {  	[sflag:s6] =	ssyncadd.s32 $0xFFFFD000  }
0x23f: {  	_ =	swait.ge [sflag:s4], $0x3000  }
0x240: {  	[sflag:s4] =	ssyncset.done $0x0  }
0x241: {  	[sflag:s4] =	ssyncadd.s32 $0xFFFFD000  }
0x242: {  	_ =	swait.ge [sflag:s4], $0x3000  }
0x243: {  	[sflag:s4] =	ssyncset.done $0x0  }
0x244: {  	[sflag:s4] =	ssyncadd.s32 $0xFFFFD000  }
0x245: {  	_ =	swait.ge [sflag:s4], $0x3000  }
0x246: {  	[sflag:s4] =	ssyncset.done $0x0  }
0x247: {  	[sflag:s4] =	ssyncadd.s32 $0xFFFFD000  }
0x248: {  	_ =	swait.ge [sflag:s4], $0x3000  }
0x249: {  	[sflag:s4] =	ssyncset.done $0x0  }
0x24a: {  	[sflag:s4] =	ssyncadd.s32 $0xFFFFD000  }
0x24b: {  	[bflag:$0x0] =	sbarrier.arrive $0xFFFF  }
0x24c: {  	[hbm:s13], [sflag:s30] =	dma.local @!p0 [spmem:s5], $0x800  }
0x24d: {  	_ =	swait.ge @!p0 [sflag:s29], $0x800  }
0x24e: {  	[sflag:s29] =	ssyncset.done @!p0 $0x0  }
0x24f: {  	[sflag:s29] =	ssyncadd.s32 @!p0 $0xFFFFF800  }
0x250: {  	_ =	sfence.sel $0x180000  }
0x251: {  	[bflag:$0x0] =	sbarrier.arrive $0xFFFF  }
0x252: {  	_ =	strace $0x90000047  }
0x253: {  	s0 =	sadd.s32 @!p0 $0x100000, s31;
	[bflag:$0x2] =	sbarrier.arrive $0xFFFF  }
0x254: {  	[sflag:s0] =	ssyncadd.tile.s32 @!p0 $0x1;
	_ =	shalt  }
.LBB2_1:
.Ltmp3:
0x255: {  	(pc) =	sbr.rel .LBB2_6-.Ltmp3, $2  }
0x256: {  	_ =	sdelay $0x2  }
0x257: {  	s13 =	smov.u32 s3  }
.LBB2_3:
.Ltmp4:
0x258: {  	(pc) =	sbr.rel .LBB2_6-.Ltmp4, $3  }
0x259: {  	_ =	sdelay $0x1  }
0x25a: {  	s13 =	smov.u32 s3;
	s31 =	rddreg [dreg:$0x4];
	s23 =	simm.s32 $0x3000  }
0x25b: {  	s24 =	simm.s32 $0x6000;
	s25 =	simm.s32 $0x9000;
	s28 =	rddreg [dreg:$0x19]  }
.Lfunc_end2:
_tile_overlayer_lowered:
.L_overlay_start_2:
0x25c: {  	(tag) =	ssettag $0x2  }
0x25d: {  	s0 =	rddreg [dreg:$0x0];
	s2 =	stileid.u32  }
0x25e: {  	s1 =	rddreg [dreg:$0x1];
	p0 =	sne.s32 s2, $0x0  }
0x25f: {  	s3 =	rddreg [dreg:$0x2];
	[bflag:$0x3] =	sbarrier.arrive $0xFFFF;
	s2 =	simm.s32 @!p0 $0x1C07  }
0x260: {  	[timem:s3], [sflag:s2] =	dma.local @!p0 [hbm:s0], s1  }
0x261: {  	s0 =	simm.s32 @!p0 $0x7  }
0x262: {  	_ =	swait.ge @!p0 [sflag:s0], s1  }
0x263: {  	s1 =	ssub.s32 @!p0 $0x0, s1;
	[sflag:s0] =	ssyncset.done @!p0 $0x0  }
0x264: {  	[sflag:s0] =	ssyncadd.s32 @!p0 s1  }
0x265: {  	[bflag:$0x3] =	sbarrier.arrive $0xFFFF  }
0x266: {  	_ =	shalt  }

</sc_bundles>
